<compile_context>
chip_gen: v7x
topology: tpu7x:2x2x1
jax: 0.10.2.dev20260603
libtpu: 0.0.44.dev20260713+nightly
codegen_flags: <defaults>
</compile_context>

<pallas_src>
import functools

import jax
import jax.numpy as jnp
from jax import lax
from jax.experimental import pallas as pl
from jax.experimental.pallas import tpu as pltpu
from jax.experimental.pallas import tpu_sc as plsc

_B, _F, _D = 4096, 26, 64
_DP = 128
_FIELD = 38461
_TOT = _B * _F
_NW = 32
_PER_W = _TOT // _NW
_NCH = 8
_C = _PER_W // _NCH
_VPC = _C // 16

_mesh = plsc.VectorSubcoreMesh(core_axis_name="c", subcore_axis_name="s")


@functools.partial(
    pl.kernel,
    out_type=jax.ShapeDtypeStruct((_TOT, _D), jnp.float32),
    mesh=_mesh,
    compiler_params=pltpu.CompilerParams(use_tc_tiling_on_sc=False),
    scratch_types=[
        pltpu.VMEM((_NCH, _C), jnp.int32),
        pltpu.VMEM((2, _C, _DP), jnp.float32),
        pltpu.SemaphoreType.DMA,
        pltpu.SemaphoreType.DMA,
    ],
)
def _embed_gather(x_hbm, table_hbm, out_hbm, idx_v, rows_v, sem0, sem1):
    wid = lax.axis_index("s") * 2 + lax.axis_index("c")
    base = wid * _PER_W

    pltpu.sync_copy(x_hbm.at[wid], idx_v)

    iota = lax.iota(jnp.int32, 16)

    def add_offsets(t, _):
        pos = t * 16 + iota
        off = lax.rem(pos, _F) * _FIELD
        for ch in range(_NCH):
            idx_v[ch, pl.ds(t * 16, 16)] = idx_v[ch, pl.ds(t * 16, 16)] + off
        return 0

    lax.fori_loop(0, _VPC, add_offsets, 0)

    sems = (sem0, sem1)

    def gather(ch):
        return pltpu.async_copy(
            table_hbm.at[idx_v.at[ch]], rows_v.at[ch % 2], sems[ch % 2])

    handles = [None] * _NCH
    handles[0] = gather(0)
    handles[1] = gather(1)
    for ch in range(_NCH):
        handles[ch].wait()
        pltpu.sync_copy(rows_v.at[ch % 2, :, pl.ds(0, _D)],
                        out_hbm.at[pl.ds(base + ch * _C, _C)])
        if ch + 2 < _NCH:
            handles[ch + 2] = gather(ch + 2)


def kernel(x, table):
    table128 = jnp.pad(table, ((0, 0), (0, _DP - _D)))
    out = _embed_gather(x.reshape(_NW, _NCH, _C), table128)
    return out.reshape(_B, _F, _D)

# --- scband reference (transcript-rebuilt; emitter-appended) ---
"""Pipeline reference for scband-features-embedding-76630806495341 (READ-ONLY COPY).

The authoritative reference and input builder live on the scoring server;
editing this copy changes nothing except your own understanding.
"""

import jax, jax.numpy as jnp
import numpy as np

FIELD_DIMS = [38461] * 26
EMBED_DIM = 64
TOTAL_DIM = sum(FIELD_DIMS)
OFFSETS = jnp.asarray(np.array((0, *np.cumsum(FIELD_DIMS)[:-1]), dtype=np.int32))


def setup_inputs(seed: int = 0) -> dict:
    key = jax.random.key(seed)
    k1, k2 = jax.random.split(key)
    x = jax.random.randint(k1, (4096, 26), 0, 38461, dtype=jnp.int32)
    # Embedding table, keras default uniform(-0.05, 0.05)
    table = jax.random.uniform(k2, (TOTAL_DIM, EMBED_DIM), dtype=jnp.float32, minval=-0.05, maxval=0.05)
    return {"x": x, "table": table}


def reference(x, table):
    idx = x + OFFSETS  # broadcast add per-field offsets, shape [B, F]
    out = jnp.take(table, idx, axis=0)  # [B, F, D] gather
    return out

if __name__ == "__main__":
    import jax
    _d = setup_inputs()
    print(jax.jit(kernel)(*tuple(_d.values())))

</pallas_src>

<mosaic_0001>
#map = affine_map<(d0, d1) -> (0, 0, 0)>
#map1 = affine_map<(d0, d1) -> (0, 0)>
module attributes {stable_mosaic.version = 14 : i64} {
  func.func @_embed_gather(%arg0: i32, %arg1: i32, %arg2: memref<32x8x416xi32, #tpu.memory_space<hbm>>, %arg3: memref<999986x128xf32, #tpu.memory_space<hbm>>, %arg4: memref<106496x64xf32, #tpu.memory_space<hbm>>, %arg5: memref<8x416xi32, #tpu.memory_space<vmem>>, %arg6: memref<2x416x128xf32, #tpu.memory_space<vmem>>, %arg7: memref<!tpu.dma_semaphore, #tpu.memory_space<semaphore_mem>>, %arg8: memref<!tpu.dma_semaphore, #tpu.memory_space<semaphore_mem>>) attributes {dimension_semantics = [#tpu.dimension_semantics<core_parallel>, #tpu.dimension_semantics<subcore_parallel>], iteration_bounds = array<i64: 2, 16>, scalar_prefetch = 0 : i64, scratch_operands = 4 : i64, tpu.core_type = #tpu.core_type<sc_vector_subcore>, window_params = [{transform_indices = #map}, {transform_indices = #map1}, {transform_indices = #map1}]} {
    %mul3A = arith.constant 2 : i32
    %mul3A_0 = arith.muli %arg1, %mul3A : i32
    %add3A = arith.addi %mul3A_0, %arg0 : i32
    %mul3A_1 = arith.constant 3328 : i32
    %mul3A_2 = arith.muli %add3A, %mul3A_1 : i32
    "tpu.region"() ({
      %run_scoped3A_222 = tpu.sem_alloc : memref<!tpu.dma_semaphore, #tpu.memory_space<semaphore_mem>>
      %dma_start3A_223 = arith.constant 0 : i32
      %dma_start3A_224 = arith.constant 0 : i32
      %dma_start3A_225 = tpu.memref_slice %arg2[%add3A, %dma_start3A_223, %dma_start3A_224] : memref<32x8x416xi32, #tpu.memory_space<hbm>> -> memref<1x8x416xi32, #tpu.memory_space<hbm>>
      %dma_start3A_226 = tpu.memref_squeeze %dma_start3A_225 : memref<1x8x416xi32, #tpu.memory_space<hbm>> -> memref<8x416xi32, #tpu.memory_space<hbm>>
      %dma_start3A_227 = arith.constant 0 : i32
      %dma_start3A_228 = arith.constant 0 : i32
      %dma_start3A_229 = tpu.memref_slice %arg2[%add3A, %dma_start3A_227, %dma_start3A_228] : memref<32x8x416xi32, #tpu.memory_space<hbm>> -> memref<1x8x416xi32, #tpu.memory_space<hbm>>
      %dma_start3A_230 = tpu.memref_squeeze %dma_start3A_229 : memref<1x8x416xi32, #tpu.memory_space<hbm>> -> memref<8x416xi32, #tpu.memory_space<hbm>>
      tpu.enqueue_dma source(%dma_start3A_230 : memref<8x416xi32, #tpu.memory_space<hbm>>) target(%arg5 : memref<8x416xi32, #tpu.memory_space<vmem>>) target_semaphore(%run_scoped3A_222 : memref<!tpu.dma_semaphore, #tpu.memory_space<semaphore_mem>>)
      %dma_wait3A_231 = arith.constant 0 : i32
      %dma_wait3A_232 = arith.constant 0 : i32
      %dma_wait3A_233 = tpu.memref_slice %arg2[%add3A, %dma_wait3A_231, %dma_wait3A_232] : memref<32x8x416xi32, #tpu.memory_space<hbm>> -> memref<1x8x416xi32, #tpu.memory_space<hbm>>
      %dma_wait3A_234 = tpu.memref_squeeze %dma_wait3A_233 : memref<1x8x416xi32, #tpu.memory_space<hbm>> -> memref<8x416xi32, #tpu.memory_space<hbm>>
      %dma_wait3A_235 = arith.constant 0 : i32
      %dma_wait3A_236 = arith.constant 0 : i32
      %dma_wait3A_237 = tpu.memref_slice %arg2[%add3A, %dma_wait3A_235, %dma_wait3A_236] : memref<32x8x416xi32, #tpu.memory_space<hbm>> -> memref<1x8x416xi32, #tpu.memory_space<hbm>>
      %dma_wait3A_238 = tpu.memref_squeeze %dma_wait3A_237 : memref<1x8x416xi32, #tpu.memory_space<hbm>> -> memref<8x416xi32, #tpu.memory_space<hbm>>
      tpu.wait_dma2 semaphore(%run_scoped3A_222 : memref<!tpu.dma_semaphore, #tpu.memory_space<semaphore_mem>>) src(%dma_wait3A_238 : memref<8x416xi32, #tpu.memory_space<hbm>>) dst(%arg5 : memref<8x416xi32, #tpu.memory_space<vmem>>)
      tpu.yield
    }) : () -> ()
    %iota3A = tpu.iota {dimensions = array<i32: 0>} : vector<16xi32>
    %scan3A = arith.constant 0 : i32
    %scan3A_3 = arith.constant 0 : i32
    %scan3A_4 = arith.constant 26 : i32
    %scan3A_5 = arith.addi %scan3A_3, %scan3A_4 : i32
    %scan3A_6 = arith.constant 1 : i32
    %scan3A_7 = scf.for %scan3A_222 = %scan3A_3 to %scan3A_5 step %scan3A_6 iter_args(%scan3A_223 = %scan3A) -> (i32)  : i32 {
      %mul3A_224 = arith.constant 16 : i32
      %mul3A_225 = arith.muli %scan3A_222, %mul3A_224 : i32
      %add3A_226 = vector.broadcast %mul3A_225 : i32 to vector<16xi32>
      %add3A_227 = arith.addi %add3A_226, %iota3A : vector<16xi32>
      %rem3A = arith.constant 26 : i32
      %rem3A_228 = vector.broadcast %rem3A : i32 to vector<16xi32>
      %rem3A_229 = arith.remsi %add3A_227, %rem3A_228 : vector<16xi32>
      %mul3A_230 = arith.constant 38461 : i32
      %mul3A_231 = vector.broadcast %mul3A_230 : i32 to vector<16xi32>
      %mul3A_232 = arith.muli %rem3A_229, %mul3A_231 : vector<16xi32>
      %mul3A_233 = arith.constant 16 : i32
      %mul3A_234 = arith.muli %scan3A_222, %mul3A_233 : i32
      %get3A = arith.constant 0 : i32
      %get3A_235 = arith.index_cast %get3A : i32 to index
      %get3A_236 = arith.index_cast %mul3A_234 : i32 to index
      %get3A_237 = tpu.vector_load %arg5[%get3A_235, %get3A_236] {strides = array<i32>} : memref<8x416xi32, #tpu.memory_space<vmem>>, vector<1x16xi32>,
      %get3A_238 = vector.shape_cast %get3A_237 : vector<1x16xi32> to vector<16xi32>
      %add3A_239 = arith.addi %get3A_238, %mul3A_232 : vector<16xi32>
      %mul3A_240 = arith.constant 16 : i32
      %mul3A_241 = arith.muli %scan3A_222, %mul3A_240 : i32
      %swap3A = arith.constant 0 : i32
      %swap3A_242 = arith.index_cast %swap3A : i32 to index
      %swap3A_243 = arith.index_cast %mul3A_241 : i32 to index
      %swap3A_244 = tpu.vector_load %arg5[%swap3A_242, %swap3A_243] {strides = array<i32>} : memref<8x416xi32, #tpu.memory_space<vmem>>, vector<1x16xi32>,
      %swap3A_245 = vector.shape_cast %swap3A_244 : vector<1x16xi32> to vector<16xi32>
      %swap3A_246 = vector.shape_cast %add3A_239 : vector<16xi32> to vector<1x16xi32>
      tpu.vector_store %arg5[%swap3A_242, %swap3A_243], %swap3A_246 {strides = array<i32>} : memref<8x416xi32, #tpu.memory_space<vmem>>, vector<1x16xi32>,
      %mul3A_247 = arith.constant 16 : i32
      %mul3A_248 = arith.muli %scan3A_222, %mul3A_247 : i32
      %get3A_249 = arith.constant 1 : i32
      %get3A_250 = arith.index_cast %get3A_249 : i32 to index
      %get3A_251 = arith.index_cast %mul3A_248 : i32 to index
      %get3A_252 = tpu.vector_load %arg5[%get3A_250, %get3A_251] {strides = array<i32>} : memref<8x416xi32, #tpu.memory_space<vmem>>, vector<1x16xi32>,
      %get3A_253 = vector.shape_cast %get3A_252 : vector<1x16xi32> to vector<16xi32>
      %add3A_254 = arith.addi %get3A_253, %mul3A_232 : vector<16xi32>
      %mul3A_255 = arith.constant 16 : i32
      %mul3A_256 = arith.muli %scan3A_222, %mul3A_255 : i32
      %swap3A_257 = arith.constant 1 : i32
      %swap3A_258 = arith.index_cast %swap3A_257 : i32 to index
      %swap3A_259 = arith.index_cast %mul3A_256 : i32 to index
      %swap3A_260 = tpu.vector_load %arg5[%swap3A_258, %swap3A_259] {strides = array<i32>} : memref<8x416xi32, #tpu.memory_space<vmem>>, vector<1x16xi32>,
      %swap3A_261 = vector.shape_cast %swap3A_260 : vector<1x16xi32> to vector<16xi32>
      %swap3A_262 = vector.shape_cast %add3A_254 : vector<16xi32> to vector<1x16xi32>
      tpu.vector_store %arg5[%swap3A_258, %swap3A_259], %swap3A_262 {strides = array<i32>} : memref<8x416xi32, #tpu.memory_space<vmem>>, vector<1x16xi32>,
      %mul3A_263 = arith.constant 16 : i32
      %mul3A_264 = arith.muli %scan3A_222, %mul3A_263 : i32
      %get3A_265 = arith.constant 2 : i32
      %get3A_266 = arith.index_cast %get3A_265 : i32 to index
      %get3A_267 = arith.index_cast %mul3A_264 : i32 to index
      %get3A_268 = tpu.vector_load %arg5[%get3A_266, %get3A_267] {strides = array<i32>} : memref<8x416xi32, #tpu.memory_space<vmem>>, vector<1x16xi32>,
      %get3A_269 = vector.shape_cast %get3A_268 : vector<1x16xi32> to vector<16xi32>
      %add3A_270 = arith.addi %get3A_269, %mul3A_232 : vector<16xi32>
      %mul3A_271 = arith.constant 16 : i32
      %mul3A_272 = arith.muli %scan3A_222, %mul3A_271 : i32
      %swap3A_273 = arith.constant 2 : i32
      %swap3A_274 = arith.index_cast %swap3A_273 : i32 to index
      %swap3A_275 = arith.index_cast %mul3A_272 : i32 to index
      %swap3A_276 = tpu.vector_load %arg5[%swap3A_274, %swap3A_275] {strides = array<i32>} : memref<8x416xi32, #tpu.memory_space<vmem>>, vector<1x16xi32>,
      %swap3A_277 = vector.shape_cast %swap3A_276 : vector<1x16xi32> to vector<16xi32>
      %swap3A_278 = vector.shape_cast %add3A_270 : vector<16xi32> to vector<1x16xi32>
      tpu.vector_store %arg5[%swap3A_274, %swap3A_275], %swap3A_278 {strides = array<i32>} : memref<8x416xi32, #tpu.memory_space<vmem>>, vector<1x16xi32>,
      %mul3A_279 = arith.constant 16 : i32
      %mul3A_280 = arith.muli %scan3A_222, %mul3A_279 : i32
      %get3A_281 = arith.constant 3 : i32
      %get3A_282 = arith.index_cast %get3A_281 : i32 to index
      %get3A_283 = arith.index_cast %mul3A_280 : i32 to index
      %get3A_284 = tpu.vector_load %arg5[%get3A_282, %get3A_283] {strides = array<i32>} : memref<8x416xi32, #tpu.memory_space<vmem>>, vector<1x16xi32>,
      %get3A_285 = vector.shape_cast %get3A_284 : vector<1x16xi32> to vector<16xi32>
      %add3A_286 = arith.addi %get3A_285, %mul3A_232 : vector<16xi32>
      %mul3A_287 = arith.constant 16 : i32
      %mul3A_288 = arith.muli %scan3A_222, %mul3A_287 : i32
      %swap3A_289 = arith.constant 3 : i32
      %swap3A_290 = arith.index_cast %swap3A_289 : i32 to index
      %swap3A_291 = arith.index_cast %mul3A_288 : i32 to index
      %swap3A_292 = tpu.vector_load %arg5[%swap3A_290, %swap3A_291] {strides = array<i32>} : memref<8x416xi32, #tpu.memory_space<vmem>>, vector<1x16xi32>,
      %swap3A_293 = vector.shape_cast %swap3A_292 : vector<1x16xi32> to vector<16xi32>
      %swap3A_294 = vector.shape_cast %add3A_286 : vector<16xi32> to vector<1x16xi32>
      tpu.vector_store %arg5[%swap3A_290, %swap3A_291], %swap3A_294 {strides = array<i32>} : memref<8x416xi32, #tpu.memory_space<vmem>>, vector<1x16xi32>,
      %mul3A_295 = arith.constant 16 : i32
      %mul3A_296 = arith.muli %scan3A_222, %mul3A_295 : i32
      %get3A_297 = arith.constant 4 : i32
      %get3A_298 = arith.index_cast %get3A_297 : i32 to index
      %get3A_299 = arith.index_cast %mul3A_296 : i32 to index
      %get3A_300 = tpu.vector_load %arg5[%get3A_298, %get3A_299] {strides = array<i32>} : memref<8x416xi32, #tpu.memory_space<vmem>>, vector<1x16xi32>,
      %get3A_301 = vector.shape_cast %get3A_300 : vector<1x16xi32> to vector<16xi32>
      %add3A_302 = arith.addi %get3A_301, %mul3A_232 : vector<16xi32>
      %mul3A_303 = arith.constant 16 : i32
      %mul3A_304 = arith.muli %scan3A_222, %mul3A_303 : i32
      %swap3A_305 = arith.constant 4 : i32
      %swap3A_306 = arith.index_cast %swap3A_305 : i32 to index
      %swap3A_307 = arith.index_cast %mul3A_304 : i32 to index
      %swap3A_308 = tpu.vector_load %arg5[%swap3A_306, %swap3A_307] {strides = array<i32>} : memref<8x416xi32, #tpu.memory_space<vmem>>, vector<1x16xi32>,
      %swap3A_309 = vector.shape_cast %swap3A_308 : vector<1x16xi32> to vector<16xi32>
      %swap3A_310 = vector.shape_cast %add3A_302 : vector<16xi32> to vector<1x16xi32>
      tpu.vector_store %arg5[%swap3A_306, %swap3A_307], %swap3A_310 {strides = array<i32>} : memref<8x416xi32, #tpu.memory_space<vmem>>, vector<1x16xi32>,
      %mul3A_311 = arith.constant 16 : i32
      %mul3A_312 = arith.muli %scan3A_222, %mul3A_311 : i32
      %get3A_313 = arith.constant 5 : i32
      %get3A_314 = arith.index_cast %get3A_313 : i32 to index
      %get3A_315 = arith.index_cast %mul3A_312 : i32 to index
      %get3A_316 = tpu.vector_load %arg5[%get3A_314, %get3A_315] {strides = array<i32>} : memref<8x416xi32, #tpu.memory_space<vmem>>, vector<1x16xi32>,
      %get3A_317 = vector.shape_cast %get3A_316 : vector<1x16xi32> to vector<16xi32>
      %add3A_318 = arith.addi %get3A_317, %mul3A_232 : vector<16xi32>
      %mul3A_319 = arith.constant 16 : i32
      %mul3A_320 = arith.muli %scan3A_222, %mul3A_319 : i32
      %swap3A_321 = arith.constant 5 : i32
      %swap3A_322 = arith.index_cast %swap3A_321 : i32 to index
      %swap3A_323 = arith.index_cast %mul3A_320 : i32 to index
      %swap3A_324 = tpu.vector_load %arg5[%swap3A_322, %swap3A_323] {strides = array<i32>} : memref<8x416xi32, #tpu.memory_space<vmem>>, vector<1x16xi32>,
      %swap3A_325 = vector.shape_cast %swap3A_324 : vector<1x16xi32> to vector<16xi32>
      %swap3A_326 = vector.shape_cast %add3A_318 : vector<16xi32> to vector<1x16xi32>
      tpu.vector_store %arg5[%swap3A_322, %swap3A_323], %swap3A_326 {strides = array<i32>} : memref<8x416xi32, #tpu.memory_space<vmem>>, vector<1x16xi32>,
      %mul3A_327 = arith.constant 16 : i32
      %mul3A_328 = arith.muli %scan3A_222, %mul3A_327 : i32
      %get3A_329 = arith.constant 6 : i32
      %get3A_330 = arith.index_cast %get3A_329 : i32 to index
      %get3A_331 = arith.index_cast %mul3A_328 : i32 to index
      %get3A_332 = tpu.vector_load %arg5[%get3A_330, %get3A_331] {strides = array<i32>} : memref<8x416xi32, #tpu.memory_space<vmem>>, vector<1x16xi32>,
      %get3A_333 = vector.shape_cast %get3A_332 : vector<1x16xi32> to vector<16xi32>
      %add3A_334 = arith.addi %get3A_333, %mul3A_232 : vector<16xi32>
      %mul3A_335 = arith.constant 16 : i32
      %mul3A_336 = arith.muli %scan3A_222, %mul3A_335 : i32
      %swap3A_337 = arith.constant 6 : i32
      %swap3A_338 = arith.index_cast %swap3A_337 : i32 to index
      %swap3A_339 = arith.index_cast %mul3A_336 : i32 to index
      %swap3A_340 = tpu.vector_load %arg5[%swap3A_338, %swap3A_339] {strides = array<i32>} : memref<8x416xi32, #tpu.memory_space<vmem>>, vector<1x16xi32>,
      %swap3A_341 = vector.shape_cast %swap3A_340 : vector<1x16xi32> to vector<16xi32>
      %swap3A_342 = vector.shape_cast %add3A_334 : vector<16xi32> to vector<1x16xi32>
      tpu.vector_store %arg5[%swap3A_338, %swap3A_339], %swap3A_342 {strides = array<i32>} : memref<8x416xi32, #tpu.memory_space<vmem>>, vector<1x16xi32>,
      %mul3A_343 = arith.constant 16 : i32
      %mul3A_344 = arith.muli %scan3A_222, %mul3A_343 : i32
      %get3A_345 = arith.constant 7 : i32
      %get3A_346 = arith.index_cast %get3A_345 : i32 to index
      %get3A_347 = arith.index_cast %mul3A_344 : i32 to index
      %get3A_348 = tpu.vector_load %arg5[%get3A_346, %get3A_347] {strides = array<i32>} : memref<8x416xi32, #tpu.memory_space<vmem>>, vector<1x16xi32>,
      %get3A_349 = vector.shape_cast %get3A_348 : vector<1x16xi32> to vector<16xi32>
      %add3A_350 = arith.addi %get3A_349, %mul3A_232 : vector<16xi32>
      %mul3A_351 = arith.constant 16 : i32
      %mul3A_352 = arith.muli %scan3A_222, %mul3A_351 : i32
      %swap3A_353 = arith.constant 7 : i32
      %swap3A_354 = arith.index_cast %swap3A_353 : i32 to index
      %swap3A_355 = arith.index_cast %mul3A_352 : i32 to index
      %swap3A_356 = tpu.vector_load %arg5[%swap3A_354, %swap3A_355] {strides = array<i32>} : memref<8x416xi32, #tpu.memory_space<vmem>>, vector<1x16xi32>,
      %swap3A_357 = vector.shape_cast %swap3A_356 : vector<1x16xi32> to vector<16xi32>
      %swap3A_358 = vector.shape_cast %add3A_350 : vector<16xi32> to vector<1x16xi32>
      tpu.vector_store %arg5[%swap3A_354, %swap3A_355], %swap3A_358 {strides = array<i32>} : memref<8x416xi32, #tpu.memory_space<vmem>>, vector<1x16xi32>,
      %scan3A_359 = arith.constant 0 : i32
      scf.yield %scan3A_359 : i32
    }
    %scan3A_8 = arith.constant 26 : i32
    %dma_start3A = arith.constant 0 : i32
    %dma_start3A_9 = arith.constant 0 : i32
    %dma_start3A_10 = arith.constant 0 : i32
    %dma_start3A_11 = arith.constant 0 : i32
    %dma_start3A_12 = tpu.memref_slice %arg6[%dma_start3A_9, %dma_start3A_10, %dma_start3A_11] : memref<2x416x128xf32, #tpu.memory_space<vmem>> -> memref<1x416x128xf32, #tpu.memory_space<vmem>>
    %dma_start3A_13 = tpu.memref_squeeze %dma_start3A_12 : memref<1x416x128xf32, #tpu.memory_space<vmem>> -> memref<416x128xf32, #tpu.memory_space<vmem>>
    %dma_start3A_14 = arith.constant 0 : i32
    %dma_start3A_15 = tpu.memref_slice %arg5[%dma_start3A, %dma_start3A_14] : memref<8x416xi32, #tpu.memory_space<vmem>> -> memref<1x416xi32, #tpu.memory_space<vmem>>
    %dma_start3A_16 = tpu.memref_squeeze %dma_start3A_15 : memref<1x416xi32, #tpu.memory_space<vmem>> -> memref<416xi32, #tpu.memory_space<vmem>>
    %dma_start3A_17 = arith.constant 0 : i32
    %dma_start3A_18 = arith.constant 0 : i32
    %dma_start3A_19 = tpu.memref_slice %arg3[%dma_start3A_17, %dma_start3A_18] : memref<999986x128xf32, #tpu.memory_space<hbm>> -> memref<999986x128xf32, #tpu.memory_space<hbm>>
    tpu.enqueue_indirect_dma source(%dma_start3A_19 : memref<999986x128xf32, #tpu.memory_space<hbm>>) target(%dma_start3A_13 : memref<416x128xf32, #tpu.memory_space<vmem>>) offsets(%dma_start3A_16 : memref<416xi32, #tpu.memory_space<vmem>>) semaphore(%arg7 : memref<!tpu.dma_semaphore, #tpu.memory_space<semaphore_mem>>)
    %dma_start3A_20 = arith.constant 1 : i32
    %dma_start3A_21 = arith.constant 1 : i32
    %dma_start3A_22 = arith.constant 0 : i32
    %dma_start3A_23 = arith.constant 0 : i32
    %dma_start3A_24 = tpu.memref_slice %arg6[%dma_start3A_21, %dma_start3A_22, %dma_start3A_23] : memref<2x416x128xf32, #tpu.memory_space<vmem>> -> memref<1x416x128xf32, #tpu.memory_space<vmem>>
    %dma_start3A_25 = tpu.memref_squeeze %dma_start3A_24 : memref<1x416x128xf32, #tpu.memory_space<vmem>> -> memref<416x128xf32, #tpu.memory_space<vmem>>
    %dma_start3A_26 = arith.constant 0 : i32
    %dma_start3A_27 = tpu.memref_slice %arg5[%dma_start3A_20, %dma_start3A_26] : memref<8x416xi32, #tpu.memory_space<vmem>> -> memref<1x416xi32, #tpu.memory_space<vmem>>
    %dma_start3A_28 = tpu.memref_squeeze %dma_start3A_27 : memref<1x416xi32, #tpu.memory_space<vmem>> -> memref<416xi32, #tpu.memory_space<vmem>>
    %dma_start3A_29 = arith.constant 0 : i32
    %dma_start3A_30 = arith.constant 0 : i32
    %dma_start3A_31 = tpu.memref_slice %arg3[%dma_start3A_29, %dma_start3A_30] : memref<999986x128xf32, #tpu.memory_space<hbm>> -> memref<999986x128xf32, #tpu.memory_space<hbm>>
    tpu.enqueue_indirect_dma source(%dma_start3A_31 : memref<999986x128xf32, #tpu.memory_space<hbm>>) target(%dma_start3A_25 : memref<416x128xf32, #tpu.memory_space<vmem>>) offsets(%dma_start3A_28 : memref<416xi32, #tpu.memory_space<vmem>>) semaphore(%arg8 : memref<!tpu.dma_semaphore, #tpu.memory_space<semaphore_mem>>)
    %dma_wait3A = arith.constant 0 : i32
    %dma_wait3A_32 = arith.constant 0 : i32
    %dma_wait3A_33 = arith.constant 0 : i32
    %dma_wait3A_34 = arith.constant 0 : i32
    %dma_wait3A_35 = tpu.memref_slice %arg6[%dma_wait3A_32, %dma_wait3A_33, %dma_wait3A_34] : memref<2x416x128xf32, #tpu.memory_space<vmem>> -> memref<1x416x128xf32, #tpu.memory_space<vmem>>
    %dma_wait3A_36 = tpu.memref_squeeze %dma_wait3A_35 : memref<1x416x128xf32, #tpu.memory_space<vmem>> -> memref<416x128xf32, #tpu.memory_space<vmem>>
    %dma_wait3A_37 = arith.constant 0 : i32
    %dma_wait3A_38 = tpu.memref_slice %arg5[%dma_wait3A, %dma_wait3A_37] : memref<8x416xi32, #tpu.memory_space<vmem>> -> memref<1x416xi32, #tpu.memory_space<vmem>>
    %dma_wait3A_39 = tpu.memref_squeeze %dma_wait3A_38 : memref<1x416xi32, #tpu.memory_space<vmem>> -> memref<416xi32, #tpu.memory_space<vmem>>
    %dma_wait3A_40 = arith.constant 0 : i32
    %dma_wait3A_41 = arith.constant 0 : i32
    %dma_wait3A_42 = tpu.memref_slice %arg3[%dma_wait3A_40, %dma_wait3A_41] : memref<999986x128xf32, #tpu.memory_space<hbm>> -> memref<999986x128xf32, #tpu.memory_space<hbm>>
    tpu.wait_indirect_dma semaphore(%arg7 : memref<!tpu.dma_semaphore, #tpu.memory_space<semaphore_mem>>) src(%dma_wait3A_42 : memref<999986x128xf32, #tpu.memory_space<hbm>>) dst(%dma_wait3A_36 : memref<416x128xf32, #tpu.memory_space<vmem>>)
    %add3A_43 = arith.constant 0 : i32
    %add3A_44 = arith.addi %mul3A_2, %add3A_43 : i32
    %run_scoped3A = arith.constant 0 : i32
    "tpu.region"() ({
      %run_scoped3A_222 = tpu.sem_alloc : memref<!tpu.dma_semaphore, #tpu.memory_space<semaphore_mem>>
      %dma_start3A_223 = arith.constant 0 : i32
      %dma_start3A_224 = arith.constant 0 : i32
      %dma_start3A_225 = tpu.memref_slice %arg6[%run_scoped3A, %dma_start3A_223, %dma_start3A_224] : memref<2x416x128xf32, #tpu.memory_space<vmem>> -> memref<1x416x64xf32, #tpu.memory_space<vmem>>
      %dma_start3A_226 = tpu.memref_squeeze %dma_start3A_225 : memref<1x416x64xf32, #tpu.memory_space<vmem>> -> memref<416x64xf32, #tpu.memory_space<vmem>>
      %dma_start3A_227 = arith.constant 0 : i32
      %dma_start3A_228 = tpu.memref_slice %arg4[%add3A_44, %dma_start3A_227] : memref<106496x64xf32, #tpu.memory_space<hbm>> -> memref<416x64xf32, #tpu.memory_space<hbm>>
      %dma_start3A_229 = arith.constant 0 : i32
      %dma_start3A_230 = tpu.memref_slice %arg4[%add3A_44, %dma_start3A_229] : memref<106496x64xf32, #tpu.memory_space<hbm>> -> memref<416x64xf32, #tpu.memory_space<hbm>>
      %dma_start3A_231 = arith.constant 0 : i32
      %dma_start3A_232 = arith.constant 0 : i32
      %dma_start3A_233 = tpu.memref_slice %arg6[%run_scoped3A, %dma_start3A_231, %dma_start3A_232] : memref<2x416x128xf32, #tpu.memory_space<vmem>> -> memref<1x416x64xf32, #tpu.memory_space<vmem>>
      %dma_start3A_234 = tpu.memref_squeeze %dma_start3A_233 : memref<1x416x64xf32, #tpu.memory_space<vmem>> -> memref<416x64xf32, #tpu.memory_space<vmem>>
      tpu.enqueue_dma source(%dma_start3A_234 : memref<416x64xf32, #tpu.memory_space<vmem>>) target(%dma_start3A_230 : memref<416x64xf32, #tpu.memory_space<hbm>>) target_semaphore(%run_scoped3A_222 : memref<!tpu.dma_semaphore, #tpu.memory_space<semaphore_mem>>)
      %dma_wait3A_235 = arith.constant 0 : i32
      %dma_wait3A_236 = arith.constant 0 : i32
      %dma_wait3A_237 = tpu.memref_slice %arg6[%run_scoped3A, %dma_wait3A_235, %dma_wait3A_236] : memref<2x416x128xf32, #tpu.memory_space<vmem>> -> memref<1x416x64xf32, #tpu.memory_space<vmem>>
      %dma_wait3A_238 = tpu.memref_squeeze %dma_wait3A_237 : memref<1x416x64xf32, #tpu.memory_space<vmem>> -> memref<416x64xf32, #tpu.memory_space<vmem>>
      %dma_wait3A_239 = arith.constant 0 : i32
      %dma_wait3A_240 = tpu.memref_slice %arg4[%add3A_44, %dma_wait3A_239] : memref<106496x64xf32, #tpu.memory_space<hbm>> -> memref<416x64xf32, #tpu.memory_space<hbm>>
      %dma_wait3A_241 = arith.constant 0 : i32
      %dma_wait3A_242 = tpu.memref_slice %arg4[%add3A_44, %dma_wait3A_241] : memref<106496x64xf32, #tpu.memory_space<hbm>> -> memref<416x64xf32, #tpu.memory_space<hbm>>
      %dma_wait3A_243 = arith.constant 0 : i32
      %dma_wait3A_244 = arith.constant 0 : i32
      %dma_wait3A_245 = tpu.memref_slice %arg6[%run_scoped3A, %dma_wait3A_243, %dma_wait3A_244] : memref<2x416x128xf32, #tpu.memory_space<vmem>> -> memref<1x416x64xf32, #tpu.memory_space<vmem>>
      %dma_wait3A_246 = tpu.memref_squeeze %dma_wait3A_245 : memref<1x416x64xf32, #tpu.memory_space<vmem>> -> memref<416x64xf32, #tpu.memory_space<vmem>>
      tpu.wait_dma2 semaphore(%run_scoped3A_222 : memref<!tpu.dma_semaphore, #tpu.memory_space<semaphore_mem>>) src(%dma_wait3A_246 : memref<416x64xf32, #tpu.memory_space<vmem>>) dst(%dma_wait3A_242 : memref<416x64xf32, #tpu.memory_space<hbm>>)
      tpu.yield
    }) : () -> ()
    %dma_start3A_45 = arith.constant 2 : i32
    %dma_start3A_46 = arith.constant 0 : i32
    %dma_start3A_47 = arith.constant 0 : i32
    %dma_start3A_48 = arith.constant 0 : i32
    %dma_start3A_49 = tpu.memref_slice %arg6[%dma_start3A_46, %dma_start3A_47, %dma_start3A_48] : memref<2x416x128xf32, #tpu.memory_space<vmem>> -> memref<1x416x128xf32, #tpu.memory_space<vmem>>
    %dma_start3A_50 = tpu.memref_squeeze %dma_start3A_49 : memref<1x416x128xf32, #tpu.memory_space<vmem>> -> memref<416x128xf32, #tpu.memory_space<vmem>>
    %dma_start3A_51 = arith.constant 0 : i32
    %dma_start3A_52 = tpu.memref_slice %arg5[%dma_start3A_45, %dma_start3A_51] : memref<8x416xi32, #tpu.memory_space<vmem>> -> memref<1x416xi32, #tpu.memory_space<vmem>>
    %dma_start3A_53 = tpu.memref_squeeze %dma_start3A_52 : memref<1x416xi32, #tpu.memory_space<vmem>> -> memref<416xi32, #tpu.memory_space<vmem>>
    %dma_start3A_54 = arith.constant 0 : i32
    %dma_start3A_55 = arith.constant 0 : i32
    %dma_start3A_56 = tpu.memref_slice %arg3[%dma_start3A_54, %dma_start3A_55] : memref<999986x128xf32, #tpu.memory_space<hbm>> -> memref<999986x128xf32, #tpu.memory_space<hbm>>
    tpu.enqueue_indirect_dma source(%dma_start3A_56 : memref<999986x128xf32, #tpu.memory_space<hbm>>) target(%dma_start3A_50 : memref<416x128xf32, #tpu.memory_space<vmem>>) offsets(%dma_start3A_53 : memref<416xi32, #tpu.memory_space<vmem>>) semaphore(%arg7 : memref<!tpu.dma_semaphore, #tpu.memory_space<semaphore_mem>>)
    %dma_wait3A_57 = arith.constant 1 : i32
    %dma_wait3A_58 = arith.constant 1 : i32
    %dma_wait3A_59 = arith.constant 0 : i32
    %dma_wait3A_60 = arith.constant 0 : i32
    %dma_wait3A_61 = tpu.memref_slice %arg6[%dma_wait3A_58, %dma_wait3A_59, %dma_wait3A_60] : memref<2x416x128xf32, #tpu.memory_space<vmem>> -> memref<1x416x128xf32, #tpu.memory_space<vmem>>
    %dma_wait3A_62 = tpu.memref_squeeze %dma_wait3A_61 : memref<1x416x128xf32, #tpu.memory_space<vmem>> -> memref<416x128xf32, #tpu.memory_space<vmem>>
    %dma_wait3A_63 = arith.constant 0 : i32
    %dma_wait3A_64 = tpu.memref_slice %arg5[%dma_wait3A_57, %dma_wait3A_63] : memref<8x416xi32, #tpu.memory_space<vmem>> -> memref<1x416xi32, #tpu.memory_space<vmem>>
    %dma_wait3A_65 = tpu.memref_squeeze %dma_wait3A_64 : memref<1x416xi32, #tpu.memory_space<vmem>> -> memref<416xi32, #tpu.memory_space<vmem>>
    %dma_wait3A_66 = arith.constant 0 : i32
    %dma_wait3A_67 = arith.constant 0 : i32
    %dma_wait3A_68 = tpu.memref_slice %arg3[%dma_wait3A_66, %dma_wait3A_67] : memref<999986x128xf32, #tpu.memory_space<hbm>> -> memref<999986x128xf32, #tpu.memory_space<hbm>>
    tpu.wait_indirect_dma semaphore(%arg8 : memref<!tpu.dma_semaphore, #tpu.memory_space<semaphore_mem>>) src(%dma_wait3A_68 : memref<999986x128xf32, #tpu.memory_space<hbm>>) dst(%dma_wait3A_62 : memref<416x128xf32, #tpu.memory_space<vmem>>)
    %add3A_69 = arith.constant 416 : i32
    %add3A_70 = arith.addi %mul3A_2, %add3A_69 : i32
    %run_scoped3A_71 = arith.constant 1 : i32
    "tpu.region"() ({
      %run_scoped3A_222 = tpu.sem_alloc : memref<!tpu.dma_semaphore, #tpu.memory_space<semaphore_mem>>
      %dma_start3A_223 = arith.constant 0 : i32
      %dma_start3A_224 = arith.constant 0 : i32
      %dma_start3A_225 = tpu.memref_slice %arg6[%run_scoped3A_71, %dma_start3A_223, %dma_start3A_224] : memref<2x416x128xf32, #tpu.memory_space<vmem>> -> memref<1x416x64xf32, #tpu.memory_space<vmem>>
      %dma_start3A_226 = tpu.memref_squeeze %dma_start3A_225 : memref<1x416x64xf32, #tpu.memory_space<vmem>> -> memref<416x64xf32, #tpu.memory_space<vmem>>
      %dma_start3A_227 = arith.constant 0 : i32
      %dma_start3A_228 = tpu.memref_slice %arg4[%add3A_70, %dma_start3A_227] : memref<106496x64xf32, #tpu.memory_space<hbm>> -> memref<416x64xf32, #tpu.memory_space<hbm>>
      %dma_start3A_229 = arith.constant 0 : i32
      %dma_start3A_230 = tpu.memref_slice %arg4[%add3A_70, %dma_start3A_229] : memref<106496x64xf32, #tpu.memory_space<hbm>> -> memref<416x64xf32, #tpu.memory_space<hbm>>
      %dma_start3A_231 = arith.constant 0 : i32
      %dma_start3A_232 = arith.constant 0 : i32
      %dma_start3A_233 = tpu.memref_slice %arg6[%run_scoped3A_71, %dma_start3A_231, %dma_start3A_232] : memref<2x416x128xf32, #tpu.memory_space<vmem>> -> memref<1x416x64xf32, #tpu.memory_space<vmem>>
      %dma_start3A_234 = tpu.memref_squeeze %dma_start3A_233 : memref<1x416x64xf32, #tpu.memory_space<vmem>> -> memref<416x64xf32, #tpu.memory_space<vmem>>
      tpu.enqueue_dma source(%dma_start3A_234 : memref<416x64xf32, #tpu.memory_space<vmem>>) target(%dma_start3A_230 : memref<416x64xf32, #tpu.memory_space<hbm>>) target_semaphore(%run_scoped3A_222 : memref<!tpu.dma_semaphore, #tpu.memory_space<semaphore_mem>>)
      %dma_wait3A_235 = arith.constant 0 : i32
      %dma_wait3A_236 = arith.constant 0 : i32
      %dma_wait3A_237 = tpu.memref_slice %arg6[%run_scoped3A_71, %dma_wait3A_235, %dma_wait3A_236] : memref<2x416x128xf32, #tpu.memory_space<vmem>> -> memref<1x416x64xf32, #tpu.memory_space<vmem>>
      %dma_wait3A_238 = tpu.memref_squeeze %dma_wait3A_237 : memref<1x416x64xf32, #tpu.memory_space<vmem>> -> memref<416x64xf32, #tpu.memory_space<vmem>>
      %dma_wait3A_239 = arith.constant 0 : i32
      %dma_wait3A_240 = tpu.memref_slice %arg4[%add3A_70, %dma_wait3A_239] : memref<106496x64xf32, #tpu.memory_space<hbm>> -> memref<416x64xf32, #tpu.memory_space<hbm>>
      %dma_wait3A_241 = arith.constant 0 : i32
      %dma_wait3A_242 = tpu.memref_slice %arg4[%add3A_70, %dma_wait3A_241] : memref<106496x64xf32, #tpu.memory_space<hbm>> -> memref<416x64xf32, #tpu.memory_space<hbm>>
      %dma_wait3A_243 = arith.constant 0 : i32
      %dma_wait3A_244 = arith.constant 0 : i32
      %dma_wait3A_245 = tpu.memref_slice %arg6[%run_scoped3A_71, %dma_wait3A_243, %dma_wait3A_244] : memref<2x416x128xf32, #tpu.memory_space<vmem>> -> memref<1x416x64xf32, #tpu.memory_space<vmem>>
      %dma_wait3A_246 = tpu.memref_squeeze %dma_wait3A_245 : memref<1x416x64xf32, #tpu.memory_space<vmem>> -> memref<416x64xf32, #tpu.memory_space<vmem>>
      tpu.wait_dma2 semaphore(%run_scoped3A_222 : memref<!tpu.dma_semaphore, #tpu.memory_space<semaphore_mem>>) src(%dma_wait3A_246 : memref<416x64xf32, #tpu.memory_space<vmem>>) dst(%dma_wait3A_242 : memref<416x64xf32, #tpu.memory_space<hbm>>)
      tpu.yield
    }) : () -> ()
    %dma_start3A_72 = arith.constant 3 : i32
    %dma_start3A_73 = arith.constant 1 : i32
    %dma_start3A_74 = arith.constant 0 : i32
    %dma_start3A_75 = arith.constant 0 : i32
    %dma_start3A_76 = tpu.memref_slice %arg6[%dma_start3A_73, %dma_start3A_74, %dma_start3A_75] : memref<2x416x128xf32, #tpu.memory_space<vmem>> -> memref<1x416x128xf32, #tpu.memory_space<vmem>>
    %dma_start3A_77 = tpu.memref_squeeze %dma_start3A_76 : memref<1x416x128xf32, #tpu.memory_space<vmem>> -> memref<416x128xf32, #tpu.memory_space<vmem>>
    %dma_start3A_78 = arith.constant 0 : i32
    %dma_start3A_79 = tpu.memref_slice %arg5[%dma_start3A_72, %dma_start3A_78] : memref<8x416xi32, #tpu.memory_space<vmem>> -> memref<1x416xi32, #tpu.memory_space<vmem>>
    %dma_start3A_80 = tpu.memref_squeeze %dma_start3A_79 : memref<1x416xi32, #tpu.memory_space<vmem>> -> memref<416xi32, #tpu.memory_space<vmem>>
    %dma_start3A_81 = arith.constant 0 : i32
    %dma_start3A_82 = arith.constant 0 : i32
    %dma_start3A_83 = tpu.memref_slice %arg3[%dma_start3A_81, %dma_start3A_82] : memref<999986x128xf32, #tpu.memory_space<hbm>> -> memref<999986x128xf32, #tpu.memory_space<hbm>>
    tpu.enqueue_indirect_dma source(%dma_start3A_83 : memref<999986x128xf32, #tpu.memory_space<hbm>>) target(%dma_start3A_77 : memref<416x128xf32, #tpu.memory_space<vmem>>) offsets(%dma_start3A_80 : memref<416xi32, #tpu.memory_space<vmem>>) semaphore(%arg8 : memref<!tpu.dma_semaphore, #tpu.memory_space<semaphore_mem>>)
    %dma_wait3A_84 = arith.constant 2 : i32
    %dma_wait3A_85 = arith.constant 0 : i32
    %dma_wait3A_86 = arith.constant 0 : i32
    %dma_wait3A_87 = arith.constant 0 : i32
    %dma_wait3A_88 = tpu.memref_slice %arg6[%dma_wait3A_85, %dma_wait3A_86, %dma_wait3A_87] : memref<2x416x128xf32, #tpu.memory_space<vmem>> -> memref<1x416x128xf32, #tpu.memory_space<vmem>>
    %dma_wait3A_89 = tpu.memref_squeeze %dma_wait3A_88 : memref<1x416x128xf32, #tpu.memory_space<vmem>> -> memref<416x128xf32, #tpu.memory_space<vmem>>
    %dma_wait3A_90 = arith.constant 0 : i32
    %dma_wait3A_91 = tpu.memref_slice %arg5[%dma_wait3A_84, %dma_wait3A_90] : memref<8x416xi32, #tpu.memory_space<vmem>> -> memref<1x416xi32, #tpu.memory_space<vmem>>
    %dma_wait3A_92 = tpu.memref_squeeze %dma_wait3A_91 : memref<1x416xi32, #tpu.memory_space<vmem>> -> memref<416xi32, #tpu.memory_space<vmem>>
    %dma_wait3A_93 = arith.constant 0 : i32
    %dma_wait3A_94 = arith.constant 0 : i32
    %dma_wait3A_95 = tpu.memref_slice %arg3[%dma_wait3A_93, %dma_wait3A_94] : memref<999986x128xf32, #tpu.memory_space<hbm>> -> memref<999986x128xf32, #tpu.memory_space<hbm>>
    tpu.wait_indirect_dma semaphore(%arg7 : memref<!tpu.dma_semaphore, #tpu.memory_space<semaphore_mem>>) src(%dma_wait3A_95 : memref<999986x128xf32, #tpu.memory_space<hbm>>) dst(%dma_wait3A_89 : memref<416x128xf32, #tpu.memory_space<vmem>>)
    %add3A_96 = arith.constant 832 : i32
    %add3A_97 = arith.addi %mul3A_2, %add3A_96 : i32
    %run_scoped3A_98 = arith.constant 0 : i32
    "tpu.region"() ({
      %run_scoped3A_222 = tpu.sem_alloc : memref<!tpu.dma_semaphore, #tpu.memory_space<semaphore_mem>>
      %dma_start3A_223 = arith.constant 0 : i32
      %dma_start3A_224 = arith.constant 0 : i32
      %dma_start3A_225 = tpu.memref_slice %arg6[%run_scoped3A_98, %dma_start3A_223, %dma_start3A_224] : memref<2x416x128xf32, #tpu.memory_space<vmem>> -> memref<1x416x64xf32, #tpu.memory_space<vmem>>
      %dma_start3A_226 = tpu.memref_squeeze %dma_start3A_225 : memref<1x416x64xf32, #tpu.memory_space<vmem>> -> memref<416x64xf32, #tpu.memory_space<vmem>>
      %dma_start3A_227 = arith.constant 0 : i32
      %dma_start3A_228 = tpu.memref_slice %arg4[%add3A_97, %dma_start3A_227] : memref<106496x64xf32, #tpu.memory_space<hbm>> -> memref<416x64xf32, #tpu.memory_space<hbm>>
      %dma_start3A_229 = arith.constant 0 : i32
      %dma_start3A_230 = tpu.memref_slice %arg4[%add3A_97, %dma_start3A_229] : memref<106496x64xf32, #tpu.memory_space<hbm>> -> memref<416x64xf32, #tpu.memory_space<hbm>>
      %dma_start3A_231 = arith.constant 0 : i32
      %dma_start3A_232 = arith.constant 0 : i32
      %dma_start3A_233 = tpu.memref_slice %arg6[%run_scoped3A_98, %dma_start3A_231, %dma_start3A_232] : memref<2x416x128xf32, #tpu.memory_space<vmem>> -> memref<1x416x64xf32, #tpu.memory_space<vmem>>
      %dma_start3A_234 = tpu.memref_squeeze %dma_start3A_233 : memref<1x416x64xf32, #tpu.memory_space<vmem>> -> memref<416x64xf32, #tpu.memory_space<vmem>>
      tpu.enqueue_dma source(%dma_start3A_234 : memref<416x64xf32, #tpu.memory_space<vmem>>) target(%dma_start3A_230 : memref<416x64xf32, #tpu.memory_space<hbm>>) target_semaphore(%run_scoped3A_222 : memref<!tpu.dma_semaphore, #tpu.memory_space<semaphore_mem>>)
      %dma_wait3A_235 = arith.constant 0 : i32
      %dma_wait3A_236 = arith.constant 0 : i32
      %dma_wait3A_237 = tpu.memref_slice %arg6[%run_scoped3A_98, %dma_wait3A_235, %dma_wait3A_236] : memref<2x416x128xf32, #tpu.memory_space<vmem>> -> memref<1x416x64xf32, #tpu.memory_space<vmem>>
      %dma_wait3A_238 = tpu.memref_squeeze %dma_wait3A_237 : memref<1x416x64xf32, #tpu.memory_space<vmem>> -> memref<416x64xf32, #tpu.memory_space<vmem>>
      %dma_wait3A_239 = arith.constant 0 : i32
      %dma_wait3A_240 = tpu.memref_slice %arg4[%add3A_97, %dma_wait3A_239] : memref<106496x64xf32, #tpu.memory_space<hbm>> -> memref<416x64xf32, #tpu.memory_space<hbm>>
      %dma_wait3A_241 = arith.constant 0 : i32
      %dma_wait3A_242 = tpu.memref_slice %arg4[%add3A_97, %dma_wait3A_241] : memref<106496x64xf32, #tpu.memory_space<hbm>> -> memref<416x64xf32, #tpu.memory_space<hbm>>
      %dma_wait3A_243 = arith.constant 0 : i32
      %dma_wait3A_244 = arith.constant 0 : i32
      %dma_wait3A_245 = tpu.memref_slice %arg6[%run_scoped3A_98, %dma_wait3A_243, %dma_wait3A_244] : memref<2x416x128xf32, #tpu.memory_space<vmem>> -> memref<1x416x64xf32, #tpu.memory_space<vmem>>
      %dma_wait3A_246 = tpu.memref_squeeze %dma_wait3A_245 : memref<1x416x64xf32, #tpu.memory_space<vmem>> -> memref<416x64xf32, #tpu.memory_space<vmem>>
      tpu.wait_dma2 semaphore(%run_scoped3A_222 : memref<!tpu.dma_semaphore, #tpu.memory_space<semaphore_mem>>) src(%dma_wait3A_246 : memref<416x64xf32, #tpu.memory_space<vmem>>) dst(%dma_wait3A_242 : memref<416x64xf32, #tpu.memory_space<hbm>>)
      tpu.yield
    }) : () -> ()
    %dma_start3A_99 = arith.constant 4 : i32
    %dma_start3A_100 = arith.constant 0 : i32
    %dma_start3A_101 = arith.constant 0 : i32
    %dma_start3A_102 = arith.constant 0 : i32
    %dma_start3A_103 = tpu.memref_slice %arg6[%dma_start3A_100, %dma_start3A_101, %dma_start3A_102] : memref<2x416x128xf32, #tpu.memory_space<vmem>> -> memref<1x416x128xf32, #tpu.memory_space<vmem>>
    %dma_start3A_104 = tpu.memref_squeeze %dma_start3A_103 : memref<1x416x128xf32, #tpu.memory_space<vmem>> -> memref<416x128xf32, #tpu.memory_space<vmem>>
    %dma_start3A_105 = arith.constant 0 : i32
    %dma_start3A_106 = tpu.memref_slice %arg5[%dma_start3A_99, %dma_start3A_105] : memref<8x416xi32, #tpu.memory_space<vmem>> -> memref<1x416xi32, #tpu.memory_space<vmem>>
    %dma_start3A_107 = tpu.memref_squeeze %dma_start3A_106 : memref<1x416xi32, #tpu.memory_space<vmem>> -> memref<416xi32, #tpu.memory_space<vmem>>
    %dma_start3A_108 = arith.constant 0 : i32
    %dma_start3A_109 = arith.constant 0 : i32
    %dma_start3A_110 = tpu.memref_slice %arg3[%dma_start3A_108, %dma_start3A_109] : memref<999986x128xf32, #tpu.memory_space<hbm>> -> memref<999986x128xf32, #tpu.memory_space<hbm>>
    tpu.enqueue_indirect_dma source(%dma_start3A_110 : memref<999986x128xf32, #tpu.memory_space<hbm>>) target(%dma_start3A_104 : memref<416x128xf32, #tpu.memory_space<vmem>>) offsets(%dma_start3A_107 : memref<416xi32, #tpu.memory_space<vmem>>) semaphore(%arg7 : memref<!tpu.dma_semaphore, #tpu.memory_space<semaphore_mem>>)
    %dma_wait3A_111 = arith.constant 3 : i32
    %dma_wait3A_112 = arith.constant 1 : i32
    %dma_wait3A_113 = arith.constant 0 : i32
    %dma_wait3A_114 = arith.constant 0 : i32
    %dma_wait3A_115 = tpu.memref_slice %arg6[%dma_wait3A_112, %dma_wait3A_113, %dma_wait3A_114] : memref<2x416x128xf32, #tpu.memory_space<vmem>> -> memref<1x416x128xf32, #tpu.memory_space<vmem>>
    %dma_wait3A_116 = tpu.memref_squeeze %dma_wait3A_115 : memref<1x416x128xf32, #tpu.memory_space<vmem>> -> memref<416x128xf32, #tpu.memory_space<vmem>>
    %dma_wait3A_117 = arith.constant 0 : i32
    %dma_wait3A_118 = tpu.memref_slice %arg5[%dma_wait3A_111, %dma_wait3A_117] : memref<8x416xi32, #tpu.memory_space<vmem>> -> memref<1x416xi32, #tpu.memory_space<vmem>>
    %dma_wait3A_119 = tpu.memref_squeeze %dma_wait3A_118 : memref<1x416xi32, #tpu.memory_space<vmem>> -> memref<416xi32, #tpu.memory_space<vmem>>
    %dma_wait3A_120 = arith.constant 0 : i32
    %dma_wait3A_121 = arith.constant 0 : i32
    %dma_wait3A_122 = tpu.memref_slice %arg3[%dma_wait3A_120, %dma_wait3A_121] : memref<999986x128xf32, #tpu.memory_space<hbm>> -> memref<999986x128xf32, #tpu.memory_space<hbm>>
    tpu.wait_indirect_dma semaphore(%arg8 : memref<!tpu.dma_semaphore, #tpu.memory_space<semaphore_mem>>) src(%dma_wait3A_122 : memref<999986x128xf32, #tpu.memory_space<hbm>>) dst(%dma_wait3A_116 : memref<416x128xf32, #tpu.memory_space<vmem>>)
    %add3A_123 = arith.constant 1248 : i32
    %add3A_124 = arith.addi %mul3A_2, %add3A_123 : i32
    %run_scoped3A_125 = arith.constant 1 : i32
    "tpu.region"() ({
      %run_scoped3A_222 = tpu.sem_alloc : memref<!tpu.dma_semaphore, #tpu.memory_space<semaphore_mem>>
      %dma_start3A_223 = arith.constant 0 : i32
      %dma_start3A_224 = arith.constant 0 : i32
      %dma_start3A_225 = tpu.memref_slice %arg6[%run_scoped3A_125, %dma_start3A_223, %dma_start3A_224] : memref<2x416x128xf32, #tpu.memory_space<vmem>> -> memref<1x416x64xf32, #tpu.memory_space<vmem>>
      %dma_start3A_226 = tpu.memref_squeeze %dma_start3A_225 : memref<1x416x64xf32, #tpu.memory_space<vmem>> -> memref<416x64xf32, #tpu.memory_space<vmem>>
      %dma_start3A_227 = arith.constant 0 : i32
      %dma_start3A_228 = tpu.memref_slice %arg4[%add3A_124, %dma_start3A_227] : memref<106496x64xf32, #tpu.memory_space<hbm>> -> memref<416x64xf32, #tpu.memory_space<hbm>>
      %dma_start3A_229 = arith.constant 0 : i32
      %dma_start3A_230 = tpu.memref_slice %arg4[%add3A_124, %dma_start3A_229] : memref<106496x64xf32, #tpu.memory_space<hbm>> -> memref<416x64xf32, #tpu.memory_space<hbm>>
      %dma_start3A_231 = arith.constant 0 : i32
      %dma_start3A_232 = arith.constant 0 : i32
      %dma_start3A_233 = tpu.memref_slice %arg6[%run_scoped3A_125, %dma_start3A_231, %dma_start3A_232] : memref<2x416x128xf32, #tpu.memory_space<vmem>> -> memref<1x416x64xf32, #tpu.memory_space<vmem>>
      %dma_start3A_234 = tpu.memref_squeeze %dma_start3A_233 : memref<1x416x64xf32, #tpu.memory_space<vmem>> -> memref<416x64xf32, #tpu.memory_space<vmem>>
      tpu.enqueue_dma source(%dma_start3A_234 : memref<416x64xf32, #tpu.memory_space<vmem>>) target(%dma_start3A_230 : memref<416x64xf32, #tpu.memory_space<hbm>>) target_semaphore(%run_scoped3A_222 : memref<!tpu.dma_semaphore, #tpu.memory_space<semaphore_mem>>)
      %dma_wait3A_235 = arith.constant 0 : i32
      %dma_wait3A_236 = arith.constant 0 : i32
      %dma_wait3A_237 = tpu.memref_slice %arg6[%run_scoped3A_125, %dma_wait3A_235, %dma_wait3A_236] : memref<2x416x128xf32, #tpu.memory_space<vmem>> -> memref<1x416x64xf32, #tpu.memory_space<vmem>>
      %dma_wait3A_238 = tpu.memref_squeeze %dma_wait3A_237 : memref<1x416x64xf32, #tpu.memory_space<vmem>> -> memref<416x64xf32, #tpu.memory_space<vmem>>
      %dma_wait3A_239 = arith.constant 0 : i32
      %dma_wait3A_240 = tpu.memref_slice %arg4[%add3A_124, %dma_wait3A_239] : memref<106496x64xf32, #tpu.memory_space<hbm>> -> memref<416x64xf32, #tpu.memory_space<hbm>>
      %dma_wait3A_241 = arith.constant 0 : i32
      %dma_wait3A_242 = tpu.memref_slice %arg4[%add3A_124, %dma_wait3A_241] : memref<106496x64xf32, #tpu.memory_space<hbm>> -> memref<416x64xf32, #tpu.memory_space<hbm>>
      %dma_wait3A_243 = arith.constant 0 : i32
      %dma_wait3A_244 = arith.constant 0 : i32
      %dma_wait3A_245 = tpu.memref_slice %arg6[%run_scoped3A_125, %dma_wait3A_243, %dma_wait3A_244] : memref<2x416x128xf32, #tpu.memory_space<vmem>> -> memref<1x416x64xf32, #tpu.memory_space<vmem>>
      %dma_wait3A_246 = tpu.memref_squeeze %dma_wait3A_245 : memref<1x416x64xf32, #tpu.memory_space<vmem>> -> memref<416x64xf32, #tpu.memory_space<vmem>>
      tpu.wait_dma2 semaphore(%run_scoped3A_222 : memref<!tpu.dma_semaphore, #tpu.memory_space<semaphore_mem>>) src(%dma_wait3A_246 : memref<416x64xf32, #tpu.memory_space<vmem>>) dst(%dma_wait3A_242 : memref<416x64xf32, #tpu.memory_space<hbm>>)
      tpu.yield
    }) : () -> ()
    %dma_start3A_126 = arith.constant 5 : i32
    %dma_start3A_127 = arith.constant 1 : i32
    %dma_start3A_128 = arith.constant 0 : i32
    %dma_start3A_129 = arith.constant 0 : i32
    %dma_start3A_130 = tpu.memref_slice %arg6[%dma_start3A_127, %dma_start3A_128, %dma_start3A_129] : memref<2x416x128xf32, #tpu.memory_space<vmem>> -> memref<1x416x128xf32, #tpu.memory_space<vmem>>
    %dma_start3A_131 = tpu.memref_squeeze %dma_start3A_130 : memref<1x416x128xf32, #tpu.memory_space<vmem>> -> memref<416x128xf32, #tpu.memory_space<vmem>>
    %dma_start3A_132 = arith.constant 0 : i32
    %dma_start3A_133 = tpu.memref_slice %arg5[%dma_start3A_126, %dma_start3A_132] : memref<8x416xi32, #tpu.memory_space<vmem>> -> memref<1x416xi32, #tpu.memory_space<vmem>>
    %dma_start3A_134 = tpu.memref_squeeze %dma_start3A_133 : memref<1x416xi32, #tpu.memory_space<vmem>> -> memref<416xi32, #tpu.memory_space<vmem>>
    %dma_start3A_135 = arith.constant 0 : i32
    %dma_start3A_136 = arith.constant 0 : i32
    %dma_start3A_137 = tpu.memref_slice %arg3[%dma_start3A_135, %dma_start3A_136] : memref<999986x128xf32, #tpu.memory_space<hbm>> -> memref<999986x128xf32, #tpu.memory_space<hbm>>
    tpu.enqueue_indirect_dma source(%dma_start3A_137 : memref<999986x128xf32, #tpu.memory_space<hbm>>) target(%dma_start3A_131 : memref<416x128xf32, #tpu.memory_space<vmem>>) offsets(%dma_start3A_134 : memref<416xi32, #tpu.memory_space<vmem>>) semaphore(%arg8 : memref<!tpu.dma_semaphore, #tpu.memory_space<semaphore_mem>>)
    %dma_wait3A_138 = arith.constant 4 : i32
    %dma_wait3A_139 = arith.constant 0 : i32
    %dma_wait3A_140 = arith.constant 0 : i32
    %dma_wait3A_141 = arith.constant 0 : i32
    %dma_wait3A_142 = tpu.memref_slice %arg6[%dma_wait3A_139, %dma_wait3A_140, %dma_wait3A_141] : memref<2x416x128xf32, #tpu.memory_space<vmem>> -> memref<1x416x128xf32, #tpu.memory_space<vmem>>
    %dma_wait3A_143 = tpu.memref_squeeze %dma_wait3A_142 : memref<1x416x128xf32, #tpu.memory_space<vmem>> -> memref<416x128xf32, #tpu.memory_space<vmem>>
    %dma_wait3A_144 = arith.constant 0 : i32
    %dma_wait3A_145 = tpu.memref_slice %arg5[%dma_wait3A_138, %dma_wait3A_144] : memref<8x416xi32, #tpu.memory_space<vmem>> -> memref<1x416xi32, #tpu.memory_space<vmem>>
    %dma_wait3A_146 = tpu.memref_squeeze %dma_wait3A_145 : memref<1x416xi32, #tpu.memory_space<vmem>> -> memref<416xi32, #tpu.memory_space<vmem>>
    %dma_wait3A_147 = arith.constant 0 : i32
    %dma_wait3A_148 = arith.constant 0 : i32
    %dma_wait3A_149 = tpu.memref_slice %arg3[%dma_wait3A_147, %dma_wait3A_148] : memref<999986x128xf32, #tpu.memory_space<hbm>> -> memref<999986x128xf32, #tpu.memory_space<hbm>>
    tpu.wait_indirect_dma semaphore(%arg7 : memref<!tpu.dma_semaphore, #tpu.memory_space<semaphore_mem>>) src(%dma_wait3A_149 : memref<999986x128xf32, #tpu.memory_space<hbm>>) dst(%dma_wait3A_143 : memref<416x128xf32, #tpu.memory_space<vmem>>)
    %add3A_150 = arith.constant 1664 : i32
    %add3A_151 = arith.addi %mul3A_2, %add3A_150 : i32
    %run_scoped3A_152 = arith.constant 0 : i32
    "tpu.region"() ({
      %run_scoped3A_222 = tpu.sem_alloc : memref<!tpu.dma_semaphore, #tpu.memory_space<semaphore_mem>>
      %dma_start3A_223 = arith.constant 0 : i32
      %dma_start3A_224 = arith.constant 0 : i32
      %dma_start3A_225 = tpu.memref_slice %arg6[%run_scoped3A_152, %dma_start3A_223, %dma_start3A_224] : memref<2x416x128xf32, #tpu.memory_space<vmem>> -> memref<1x416x64xf32, #tpu.memory_space<vmem>>
      %dma_start3A_226 = tpu.memref_squeeze %dma_start3A_225 : memref<1x416x64xf32, #tpu.memory_space<vmem>> -> memref<416x64xf32, #tpu.memory_space<vmem>>
      %dma_start3A_227 = arith.constant 0 : i32
      %dma_start3A_228 = tpu.memref_slice %arg4[%add3A_151, %dma_start3A_227] : memref<106496x64xf32, #tpu.memory_space<hbm>> -> memref<416x64xf32, #tpu.memory_space<hbm>>
      %dma_start3A_229 = arith.constant 0 : i32
      %dma_start3A_230 = tpu.memref_slice %arg4[%add3A_151, %dma_start3A_229] : memref<106496x64xf32, #tpu.memory_space<hbm>> -> memref<416x64xf32, #tpu.memory_space<hbm>>
      %dma_start3A_231 = arith.constant 0 : i32
      %dma_start3A_232 = arith.constant 0 : i32
      %dma_start3A_233 = tpu.memref_slice %arg6[%run_scoped3A_152, %dma_start3A_231, %dma_start3A_232] : memref<2x416x128xf32, #tpu.memory_space<vmem>> -> memref<1x416x64xf32, #tpu.memory_space<vmem>>
      %dma_start3A_234 = tpu.memref_squeeze %dma_start3A_233 : memref<1x416x64xf32, #tpu.memory_space<vmem>> -> memref<416x64xf32, #tpu.memory_space<vmem>>
      tpu.enqueue_dma source(%dma_start3A_234 : memref<416x64xf32, #tpu.memory_space<vmem>>) target(%dma_start3A_230 : memref<416x64xf32, #tpu.memory_space<hbm>>) target_semaphore(%run_scoped3A_222 : memref<!tpu.dma_semaphore, #tpu.memory_space<semaphore_mem>>)
      %dma_wait3A_235 = arith.constant 0 : i32
      %dma_wait3A_236 = arith.constant 0 : i32
      %dma_wait3A_237 = tpu.memref_slice %arg6[%run_scoped3A_152, %dma_wait3A_235, %dma_wait3A_236] : memref<2x416x128xf32, #tpu.memory_space<vmem>> -> memref<1x416x64xf32, #tpu.memory_space<vmem>>
      %dma_wait3A_238 = tpu.memref_squeeze %dma_wait3A_237 : memref<1x416x64xf32, #tpu.memory_space<vmem>> -> memref<416x64xf32, #tpu.memory_space<vmem>>
      %dma_wait3A_239 = arith.constant 0 : i32
      %dma_wait3A_240 = tpu.memref_slice %arg4[%add3A_151, %dma_wait3A_239] : memref<106496x64xf32, #tpu.memory_space<hbm>> -> memref<416x64xf32, #tpu.memory_space<hbm>>
      %dma_wait3A_241 = arith.constant 0 : i32
      %dma_wait3A_242 = tpu.memref_slice %arg4[%add3A_151, %dma_wait3A_241] : memref<106496x64xf32, #tpu.memory_space<hbm>> -> memref<416x64xf32, #tpu.memory_space<hbm>>
      %dma_wait3A_243 = arith.constant 0 : i32
      %dma_wait3A_244 = arith.constant 0 : i32
      %dma_wait3A_245 = tpu.memref_slice %arg6[%run_scoped3A_152, %dma_wait3A_243, %dma_wait3A_244] : memref<2x416x128xf32, #tpu.memory_space<vmem>> -> memref<1x416x64xf32, #tpu.memory_space<vmem>>
      %dma_wait3A_246 = tpu.memref_squeeze %dma_wait3A_245 : memref<1x416x64xf32, #tpu.memory_space<vmem>> -> memref<416x64xf32, #tpu.memory_space<vmem>>
      tpu.wait_dma2 semaphore(%run_scoped3A_222 : memref<!tpu.dma_semaphore, #tpu.memory_space<semaphore_mem>>) src(%dma_wait3A_246 : memref<416x64xf32, #tpu.memory_space<vmem>>) dst(%dma_wait3A_242 : memref<416x64xf32, #tpu.memory_space<hbm>>)
      tpu.yield
    }) : () -> ()
    %dma_start3A_153 = arith.constant 6 : i32
    %dma_start3A_154 = arith.constant 0 : i32
    %dma_start3A_155 = arith.constant 0 : i32
    %dma_start3A_156 = arith.constant 0 : i32
    %dma_start3A_157 = tpu.memref_slice %arg6[%dma_start3A_154, %dma_start3A_155, %dma_start3A_156] : memref<2x416x128xf32, #tpu.memory_space<vmem>> -> memref<1x416x128xf32, #tpu.memory_space<vmem>>
    %dma_start3A_158 = tpu.memref_squeeze %dma_start3A_157 : memref<1x416x128xf32, #tpu.memory_space<vmem>> -> memref<416x128xf32, #tpu.memory_space<vmem>>
    %dma_start3A_159 = arith.constant 0 : i32
    %dma_start3A_160 = tpu.memref_slice %arg5[%dma_start3A_153, %dma_start3A_159] : memref<8x416xi32, #tpu.memory_space<vmem>> -> memref<1x416xi32, #tpu.memory_space<vmem>>
    %dma_start3A_161 = tpu.memref_squeeze %dma_start3A_160 : memref<1x416xi32, #tpu.memory_space<vmem>> -> memref<416xi32, #tpu.memory_space<vmem>>
    %dma_start3A_162 = arith.constant 0 : i32
    %dma_start3A_163 = arith.constant 0 : i32
    %dma_start3A_164 = tpu.memref_slice %arg3[%dma_start3A_162, %dma_start3A_163] : memref<999986x128xf32, #tpu.memory_space<hbm>> -> memref<999986x128xf32, #tpu.memory_space<hbm>>
    tpu.enqueue_indirect_dma source(%dma_start3A_164 : memref<999986x128xf32, #tpu.memory_space<hbm>>) target(%dma_start3A_158 : memref<416x128xf32, #tpu.memory_space<vmem>>) offsets(%dma_start3A_161 : memref<416xi32, #tpu.memory_space<vmem>>) semaphore(%arg7 : memref<!tpu.dma_semaphore, #tpu.memory_space<semaphore_mem>>)
    %dma_wait3A_165 = arith.constant 5 : i32
    %dma_wait3A_166 = arith.constant 1 : i32
    %dma_wait3A_167 = arith.constant 0 : i32
    %dma_wait3A_168 = arith.constant 0 : i32
    %dma_wait3A_169 = tpu.memref_slice %arg6[%dma_wait3A_166, %dma_wait3A_167, %dma_wait3A_168] : memref<2x416x128xf32, #tpu.memory_space<vmem>> -> memref<1x416x128xf32, #tpu.memory_space<vmem>>
    %dma_wait3A_170 = tpu.memref_squeeze %dma_wait3A_169 : memref<1x416x128xf32, #tpu.memory_space<vmem>> -> memref<416x128xf32, #tpu.memory_space<vmem>>
    %dma_wait3A_171 = arith.constant 0 : i32
    %dma_wait3A_172 = tpu.memref_slice %arg5[%dma_wait3A_165, %dma_wait3A_171] : memref<8x416xi32, #tpu.memory_space<vmem>> -> memref<1x416xi32, #tpu.memory_space<vmem>>
    %dma_wait3A_173 = tpu.memref_squeeze %dma_wait3A_172 : memref<1x416xi32, #tpu.memory_space<vmem>> -> memref<416xi32, #tpu.memory_space<vmem>>
    %dma_wait3A_174 = arith.constant 0 : i32
    %dma_wait3A_175 = arith.constant 0 : i32
    %dma_wait3A_176 = tpu.memref_slice %arg3[%dma_wait3A_174, %dma_wait3A_175] : memref<999986x128xf32, #tpu.memory_space<hbm>> -> memref<999986x128xf32, #tpu.memory_space<hbm>>
    tpu.wait_indirect_dma semaphore(%arg8 : memref<!tpu.dma_semaphore, #tpu.memory_space<semaphore_mem>>) src(%dma_wait3A_176 : memref<999986x128xf32, #tpu.memory_space<hbm>>) dst(%dma_wait3A_170 : memref<416x128xf32, #tpu.memory_space<vmem>>)
    %add3A_177 = arith.constant 2080 : i32
    %add3A_178 = arith.addi %mul3A_2, %add3A_177 : i32
    %run_scoped3A_179 = arith.constant 1 : i32
    "tpu.region"() ({
      %run_scoped3A_222 = tpu.sem_alloc : memref<!tpu.dma_semaphore, #tpu.memory_space<semaphore_mem>>
      %dma_start3A_223 = arith.constant 0 : i32
      %dma_start3A_224 = arith.constant 0 : i32
      %dma_start3A_225 = tpu.memref_slice %arg6[%run_scoped3A_179, %dma_start3A_223, %dma_start3A_224] : memref<2x416x128xf32, #tpu.memory_space<vmem>> -> memref<1x416x64xf32, #tpu.memory_space<vmem>>
      %dma_start3A_226 = tpu.memref_squeeze %dma_start3A_225 : memref<1x416x64xf32, #tpu.memory_space<vmem>> -> memref<416x64xf32, #tpu.memory_space<vmem>>
      %dma_start3A_227 = arith.constant 0 : i32
      %dma_start3A_228 = tpu.memref_slice %arg4[%add3A_178, %dma_start3A_227] : memref<106496x64xf32, #tpu.memory_space<hbm>> -> memref<416x64xf32, #tpu.memory_space<hbm>>
      %dma_start3A_229 = arith.constant 0 : i32
      %dma_start3A_230 = tpu.memref_slice %arg4[%add3A_178, %dma_start3A_229] : memref<106496x64xf32, #tpu.memory_space<hbm>> -> memref<416x64xf32, #tpu.memory_space<hbm>>
      %dma_start3A_231 = arith.constant 0 : i32
      %dma_start3A_232 = arith.constant 0 : i32
      %dma_start3A_233 = tpu.memref_slice %arg6[%run_scoped3A_179, %dma_start3A_231, %dma_start3A_232] : memref<2x416x128xf32, #tpu.memory_space<vmem>> -> memref<1x416x64xf32, #tpu.memory_space<vmem>>
      %dma_start3A_234 = tpu.memref_squeeze %dma_start3A_233 : memref<1x416x64xf32, #tpu.memory_space<vmem>> -> memref<416x64xf32, #tpu.memory_space<vmem>>
      tpu.enqueue_dma source(%dma_start3A_234 : memref<416x64xf32, #tpu.memory_space<vmem>>) target(%dma_start3A_230 : memref<416x64xf32, #tpu.memory_space<hbm>>) target_semaphore(%run_scoped3A_222 : memref<!tpu.dma_semaphore, #tpu.memory_space<semaphore_mem>>)
      %dma_wait3A_235 = arith.constant 0 : i32
      %dma_wait3A_236 = arith.constant 0 : i32
      %dma_wait3A_237 = tpu.memref_slice %arg6[%run_scoped3A_179, %dma_wait3A_235, %dma_wait3A_236] : memref<2x416x128xf32, #tpu.memory_space<vmem>> -> memref<1x416x64xf32, #tpu.memory_space<vmem>>
      %dma_wait3A_238 = tpu.memref_squeeze %dma_wait3A_237 : memref<1x416x64xf32, #tpu.memory_space<vmem>> -> memref<416x64xf32, #tpu.memory_space<vmem>>
      %dma_wait3A_239 = arith.constant 0 : i32
      %dma_wait3A_240 = tpu.memref_slice %arg4[%add3A_178, %dma_wait3A_239] : memref<106496x64xf32, #tpu.memory_space<hbm>> -> memref<416x64xf32, #tpu.memory_space<hbm>>
      %dma_wait3A_241 = arith.constant 0 : i32
      %dma_wait3A_242 = tpu.memref_slice %arg4[%add3A_178, %dma_wait3A_241] : memref<106496x64xf32, #tpu.memory_space<hbm>> -> memref<416x64xf32, #tpu.memory_space<hbm>>
      %dma_wait3A_243 = arith.constant 0 : i32
      %dma_wait3A_244 = arith.constant 0 : i32
      %dma_wait3A_245 = tpu.memref_slice %arg6[%run_scoped3A_179, %dma_wait3A_243, %dma_wait3A_244] : memref<2x416x128xf32, #tpu.memory_space<vmem>> -> memref<1x416x64xf32, #tpu.memory_space<vmem>>
      %dma_wait3A_246 = tpu.memref_squeeze %dma_wait3A_245 : memref<1x416x64xf32, #tpu.memory_space<vmem>> -> memref<416x64xf32, #tpu.memory_space<vmem>>
      tpu.wait_dma2 semaphore(%run_scoped3A_222 : memref<!tpu.dma_semaphore, #tpu.memory_space<semaphore_mem>>) src(%dma_wait3A_246 : memref<416x64xf32, #tpu.memory_space<vmem>>) dst(%dma_wait3A_242 : memref<416x64xf32, #tpu.memory_space<hbm>>)
      tpu.yield
    }) : () -> ()
    %dma_start3A_180 = arith.constant 7 : i32
    %dma_start3A_181 = arith.constant 1 : i32
    %dma_start3A_182 = arith.constant 0 : i32
    %dma_start3A_183 = arith.constant 0 : i32
    %dma_start3A_184 = tpu.memref_slice %arg6[%dma_start3A_181, %dma_start3A_182, %dma_start3A_183] : memref<2x416x128xf32, #tpu.memory_space<vmem>> -> memref<1x416x128xf32, #tpu.memory_space<vmem>>
    %dma_start3A_185 = tpu.memref_squeeze %dma_start3A_184 : memref<1x416x128xf32, #tpu.memory_space<vmem>> -> memref<416x128xf32, #tpu.memory_space<vmem>>
    %dma_start3A_186 = arith.constant 0 : i32
    %dma_start3A_187 = tpu.memref_slice %arg5[%dma_start3A_180, %dma_start3A_186] : memref<8x416xi32, #tpu.memory_space<vmem>> -> memref<1x416xi32, #tpu.memory_space<vmem>>
    %dma_start3A_188 = tpu.memref_squeeze %dma_start3A_187 : memref<1x416xi32, #tpu.memory_space<vmem>> -> memref<416xi32, #tpu.memory_space<vmem>>
    %dma_start3A_189 = arith.constant 0 : i32
    %dma_start3A_190 = arith.constant 0 : i32
    %dma_start3A_191 = tpu.memref_slice %arg3[%dma_start3A_189, %dma_start3A_190] : memref<999986x128xf32, #tpu.memory_space<hbm>> -> memref<999986x128xf32, #tpu.memory_space<hbm>>
    tpu.enqueue_indirect_dma source(%dma_start3A_191 : memref<999986x128xf32, #tpu.memory_space<hbm>>) target(%dma_start3A_185 : memref<416x128xf32, #tpu.memory_space<vmem>>) offsets(%dma_start3A_188 : memref<416xi32, #tpu.memory_space<vmem>>) semaphore(%arg8 : memref<!tpu.dma_semaphore, #tpu.memory_space<semaphore_mem>>)
    %dma_wait3A_192 = arith.constant 6 : i32
    %dma_wait3A_193 = arith.constant 0 : i32
    %dma_wait3A_194 = arith.constant 0 : i32
    %dma_wait3A_195 = arith.constant 0 : i32
    %dma_wait3A_196 = tpu.memref_slice %arg6[%dma_wait3A_193, %dma_wait3A_194, %dma_wait3A_195] : memref<2x416x128xf32, #tpu.memory_space<vmem>> -> memref<1x416x128xf32, #tpu.memory_space<vmem>>
    %dma_wait3A_197 = tpu.memref_squeeze %dma_wait3A_196 : memref<1x416x128xf32, #tpu.memory_space<vmem>> -> memref<416x128xf32, #tpu.memory_space<vmem>>
    %dma_wait3A_198 = arith.constant 0 : i32
    %dma_wait3A_199 = tpu.memref_slice %arg5[%dma_wait3A_192, %dma_wait3A_198] : memref<8x416xi32, #tpu.memory_space<vmem>> -> memref<1x416xi32, #tpu.memory_space<vmem>>
    %dma_wait3A_200 = tpu.memref_squeeze %dma_wait3A_199 : memref<1x416xi32, #tpu.memory_space<vmem>> -> memref<416xi32, #tpu.memory_space<vmem>>
    %dma_wait3A_201 = arith.constant 0 : i32
    %dma_wait3A_202 = arith.constant 0 : i32
    %dma_wait3A_203 = tpu.memref_slice %arg3[%dma_wait3A_201, %dma_wait3A_202] : memref<999986x128xf32, #tpu.memory_space<hbm>> -> memref<999986x128xf32, #tpu.memory_space<hbm>>
    tpu.wait_indirect_dma semaphore(%arg7 : memref<!tpu.dma_semaphore, #tpu.memory_space<semaphore_mem>>) src(%dma_wait3A_203 : memref<999986x128xf32, #tpu.memory_space<hbm>>) dst(%dma_wait3A_197 : memref<416x128xf32, #tpu.memory_space<vmem>>)
    %add3A_204 = arith.constant 2496 : i32
    %add3A_205 = arith.addi %mul3A_2, %add3A_204 : i32
    %run_scoped3A_206 = arith.constant 0 : i32
    "tpu.region"() ({
      %run_scoped3A_222 = tpu.sem_alloc : memref<!tpu.dma_semaphore, #tpu.memory_space<semaphore_mem>>
      %dma_start3A_223 = arith.constant 0 : i32
      %dma_start3A_224 = arith.constant 0 : i32
      %dma_start3A_225 = tpu.memref_slice %arg6[%run_scoped3A_206, %dma_start3A_223, %dma_start3A_224] : memref<2x416x128xf32, #tpu.memory_space<vmem>> -> memref<1x416x64xf32, #tpu.memory_space<vmem>>
      %dma_start3A_226 = tpu.memref_squeeze %dma_start3A_225 : memref<1x416x64xf32, #tpu.memory_space<vmem>> -> memref<416x64xf32, #tpu.memory_space<vmem>>
      %dma_start3A_227 = arith.constant 0 : i32
      %dma_start3A_228 = tpu.memref_slice %arg4[%add3A_205, %dma_start3A_227] : memref<106496x64xf32, #tpu.memory_space<hbm>> -> memref<416x64xf32, #tpu.memory_space<hbm>>
      %dma_start3A_229 = arith.constant 0 : i32
      %dma_start3A_230 = tpu.memref_slice %arg4[%add3A_205, %dma_start3A_229] : memref<106496x64xf32, #tpu.memory_space<hbm>> -> memref<416x64xf32, #tpu.memory_space<hbm>>
      %dma_start3A_231 = arith.constant 0 : i32
      %dma_start3A_232 = arith.constant 0 : i32
      %dma_start3A_233 = tpu.memref_slice %arg6[%run_scoped3A_206, %dma_start3A_231, %dma_start3A_232] : memref<2x416x128xf32, #tpu.memory_space<vmem>> -> memref<1x416x64xf32, #tpu.memory_space<vmem>>
      %dma_start3A_234 = tpu.memref_squeeze %dma_start3A_233 : memref<1x416x64xf32, #tpu.memory_space<vmem>> -> memref<416x64xf32, #tpu.memory_space<vmem>>
      tpu.enqueue_dma source(%dma_start3A_234 : memref<416x64xf32, #tpu.memory_space<vmem>>) target(%dma_start3A_230 : memref<416x64xf32, #tpu.memory_space<hbm>>) target_semaphore(%run_scoped3A_222 : memref<!tpu.dma_semaphore, #tpu.memory_space<semaphore_mem>>)
      %dma_wait3A_235 = arith.constant 0 : i32
      %dma_wait3A_236 = arith.constant 0 : i32
      %dma_wait3A_237 = tpu.memref_slice %arg6[%run_scoped3A_206, %dma_wait3A_235, %dma_wait3A_236] : memref<2x416x128xf32, #tpu.memory_space<vmem>> -> memref<1x416x64xf32, #tpu.memory_space<vmem>>
      %dma_wait3A_238 = tpu.memref_squeeze %dma_wait3A_237 : memref<1x416x64xf32, #tpu.memory_space<vmem>> -> memref<416x64xf32, #tpu.memory_space<vmem>>
      %dma_wait3A_239 = arith.constant 0 : i32
      %dma_wait3A_240 = tpu.memref_slice %arg4[%add3A_205, %dma_wait3A_239] : memref<106496x64xf32, #tpu.memory_space<hbm>> -> memref<416x64xf32, #tpu.memory_space<hbm>>
      %dma_wait3A_241 = arith.constant 0 : i32
      %dma_wait3A_242 = tpu.memref_slice %arg4[%add3A_205, %dma_wait3A_241] : memref<106496x64xf32, #tpu.memory_space<hbm>> -> memref<416x64xf32, #tpu.memory_space<hbm>>
      %dma_wait3A_243 = arith.constant 0 : i32
      %dma_wait3A_244 = arith.constant 0 : i32
      %dma_wait3A_245 = tpu.memref_slice %arg6[%run_scoped3A_206, %dma_wait3A_243, %dma_wait3A_244] : memref<2x416x128xf32, #tpu.memory_space<vmem>> -> memref<1x416x64xf32, #tpu.memory_space<vmem>>
      %dma_wait3A_246 = tpu.memref_squeeze %dma_wait3A_245 : memref<1x416x64xf32, #tpu.memory_space<vmem>> -> memref<416x64xf32, #tpu.memory_space<vmem>>
      tpu.wait_dma2 semaphore(%run_scoped3A_222 : memref<!tpu.dma_semaphore, #tpu.memory_space<semaphore_mem>>) src(%dma_wait3A_246 : memref<416x64xf32, #tpu.memory_space<vmem>>) dst(%dma_wait3A_242 : memref<416x64xf32, #tpu.memory_space<hbm>>)
      tpu.yield
    }) : () -> ()
    %dma_wait3A_207 = arith.constant 7 : i32
    %dma_wait3A_208 = arith.constant 1 : i32
    %dma_wait3A_209 = arith.constant 0 : i32
    %dma_wait3A_210 = arith.constant 0 : i32
    %dma_wait3A_211 = tpu.memref_slice %arg6[%dma_wait3A_208, %dma_wait3A_209, %dma_wait3A_210] : memref<2x416x128xf32, #tpu.memory_space<vmem>> -> memref<1x416x128xf32, #tpu.memory_space<vmem>>
    %dma_wait3A_212 = tpu.memref_squeeze %dma_wait3A_211 : memref<1x416x128xf32, #tpu.memory_space<vmem>> -> memref<416x128xf32, #tpu.memory_space<vmem>>
    %dma_wait3A_213 = arith.constant 0 : i32
    %dma_wait3A_214 = tpu.memref_slice %arg5[%dma_wait3A_207, %dma_wait3A_213] : memref<8x416xi32, #tpu.memory_space<vmem>> -> memref<1x416xi32, #tpu.memory_space<vmem>>
    %dma_wait3A_215 = tpu.memref_squeeze %dma_wait3A_214 : memref<1x416xi32, #tpu.memory_space<vmem>> -> memref<416xi32, #tpu.memory_space<vmem>>
    %dma_wait3A_216 = arith.constant 0 : i32
    %dma_wait3A_217 = arith.constant 0 : i32
    %dma_wait3A_218 = tpu.memref_slice %arg3[%dma_wait3A_216, %dma_wait3A_217] : memref<999986x128xf32, #tpu.memory_space<hbm>> -> memref<999986x128xf32, #tpu.memory_space<hbm>>
    tpu.wait_indirect_dma semaphore(%arg8 : memref<!tpu.dma_semaphore, #tpu.memory_space<semaphore_mem>>) src(%dma_wait3A_218 : memref<999986x128xf32, #tpu.memory_space<hbm>>) dst(%dma_wait3A_212 : memref<416x128xf32, #tpu.memory_space<vmem>>)
    %add3A_219 = arith.constant 2912 : i32
    %add3A_220 = arith.addi %mul3A_2, %add3A_219 : i32
    %run_scoped3A_221 = arith.constant 1 : i32
    "tpu.region"() ({
      %run_scoped3A_222 = tpu.sem_alloc : memref<!tpu.dma_semaphore, #tpu.memory_space<semaphore_mem>>
      %dma_start3A_223 = arith.constant 0 : i32
      %dma_start3A_224 = arith.constant 0 : i32
      %dma_start3A_225 = tpu.memref_slice %arg6[%run_scoped3A_221, %dma_start3A_223, %dma_start3A_224] : memref<2x416x128xf32, #tpu.memory_space<vmem>> -> memref<1x416x64xf32, #tpu.memory_space<vmem>>
      %dma_start3A_226 = tpu.memref_squeeze %dma_start3A_225 : memref<1x416x64xf32, #tpu.memory_space<vmem>> -> memref<416x64xf32, #tpu.memory_space<vmem>>
      %dma_start3A_227 = arith.constant 0 : i32
      %dma_start3A_228 = tpu.memref_slice %arg4[%add3A_220, %dma_start3A_227] : memref<106496x64xf32, #tpu.memory_space<hbm>> -> memref<416x64xf32, #tpu.memory_space<hbm>>
      %dma_start3A_229 = arith.constant 0 : i32
      %dma_start3A_230 = tpu.memref_slice %arg4[%add3A_220, %dma_start3A_229] : memref<106496x64xf32, #tpu.memory_space<hbm>> -> memref<416x64xf32, #tpu.memory_space<hbm>>
      %dma_start3A_231 = arith.constant 0 : i32
      %dma_start3A_232 = arith.constant 0 : i32
      %dma_start3A_233 = tpu.memref_slice %arg6[%run_scoped3A_221, %dma_start3A_231, %dma_start3A_232] : memref<2x416x128xf32, #tpu.memory_space<vmem>> -> memref<1x416x64xf32, #tpu.memory_space<vmem>>
      %dma_start3A_234 = tpu.memref_squeeze %dma_start3A_233 : memref<1x416x64xf32, #tpu.memory_space<vmem>> -> memref<416x64xf32, #tpu.memory_space<vmem>>
      tpu.enqueue_dma source(%dma_start3A_234 : memref<416x64xf32, #tpu.memory_space<vmem>>) target(%dma_start3A_230 : memref<416x64xf32, #tpu.memory_space<hbm>>) target_semaphore(%run_scoped3A_222 : memref<!tpu.dma_semaphore, #tpu.memory_space<semaphore_mem>>)
      %dma_wait3A_235 = arith.constant 0 : i32
      %dma_wait3A_236 = arith.constant 0 : i32
      %dma_wait3A_237 = tpu.memref_slice %arg6[%run_scoped3A_221, %dma_wait3A_235, %dma_wait3A_236] : memref<2x416x128xf32, #tpu.memory_space<vmem>> -> memref<1x416x64xf32, #tpu.memory_space<vmem>>
      %dma_wait3A_238 = tpu.memref_squeeze %dma_wait3A_237 : memref<1x416x64xf32, #tpu.memory_space<vmem>> -> memref<416x64xf32, #tpu.memory_space<vmem>>
      %dma_wait3A_239 = arith.constant 0 : i32
      %dma_wait3A_240 = tpu.memref_slice %arg4[%add3A_220, %dma_wait3A_239] : memref<106496x64xf32, #tpu.memory_space<hbm>> -> memref<416x64xf32, #tpu.memory_space<hbm>>
      %dma_wait3A_241 = arith.constant 0 : i32
      %dma_wait3A_242 = tpu.memref_slice %arg4[%add3A_220, %dma_wait3A_241] : memref<106496x64xf32, #tpu.memory_space<hbm>> -> memref<416x64xf32, #tpu.memory_space<hbm>>
      %dma_wait3A_243 = arith.constant 0 : i32
      %dma_wait3A_244 = arith.constant 0 : i32
      %dma_wait3A_245 = tpu.memref_slice %arg6[%run_scoped3A_221, %dma_wait3A_243, %dma_wait3A_244] : memref<2x416x128xf32, #tpu.memory_space<vmem>> -> memref<1x416x64xf32, #tpu.memory_space<vmem>>
      %dma_wait3A_246 = tpu.memref_squeeze %dma_wait3A_245 : memref<1x416x64xf32, #tpu.memory_space<vmem>> -> memref<416x64xf32, #tpu.memory_space<vmem>>
      tpu.wait_dma2 semaphore(%run_scoped3A_222 : memref<!tpu.dma_semaphore, #tpu.memory_space<semaphore_mem>>) src(%dma_wait3A_246 : memref<416x64xf32, #tpu.memory_space<vmem>>) dst(%dma_wait3A_242 : memref<416x64xf32, #tpu.memory_space<hbm>>)
      tpu.yield
    }) : () -> ()
    return
  }
}

</mosaic_0001>

<sc_bundles>
// kernel: kernel.3.cloned.1.call-start
scs
__scs_entry_jumppad:
0x0: {  	(pc) =	sbr.rel $0x88, $3  }
0x1: {  	(tag) =	ssettag $0x0;
	lr =	simm.s32 $0x1  }
0x2: {  	[smem:$0x3F9F] =	sst lr;
	_ =	strace $0xD0000000  }
0x3: {  	_ = 	snop  }
0x4: {  	_ = 	snop  }
0x5: {  	_ = 	snop  }
0x6: {  	_ = 	snop  }
0x7: {  	_ = 	snop  }
__scs_overlays_trampoline_lowered:
0x8: {  	[smem:$0x3FAE] =	sst s0  }
0x9: {  	[smem:$0x3FAF] =	sst s1  }
0xa: {  	[smem:$0x3FB0] =	sst s2  }
0xb: {  	[smem:$0x3FB1] =	sst s3  }
0xc: {  	[smem:$0x3FB2] =	sst s4  }
0xd: {  	[smem:$0x3FB3] =	sst s5  }
0xe: {  	[smem:$0x3FB4] =	sst s6  }
0xf: {  	[smem:$0x3FB5] =	sst s7  }
0x10: {  	[smem:$0x3FB6] =	sst s8  }
0x11: {  	[smem:$0x3FB7] =	sst s9;
	s0 =	simm.s32 @!p0 $0x0  }
0x12: {  	s1 =	sld [smem:$0x3F9D];
	s0 =	simm.s32 @p0 $0x1  }
0x13: {  	[smem:$0x3FB8] =	sst s0;
	s0 =	simm.s32 @!p1 $0x0  }
0x14: {  	s2 =	sld [smem:$0x3F9C];
	s0 =	simm.s32 @p1 $0x1  }
0x15: {  	[smem:$0x3FB9] =	sst s0;
	s0 =	simm.s32 @!p2 $0x0  }
0x16: {  	s3 =	sld [smem:$0x3FDB];
	s0 =	simm.s32 @p2 $0x1  }
0x17: {  	s4 =	simm.s32 $0x1BF5;
	[smem:$0x3FBB] =	sst s0  }
0x18: {  	s0 =	sld [smem:$0x3F9E];
	_ =	swait.ge [sflag:s4], $0x0  }
0x19: {  	s7 =	sld [smem:$0x3F9F]  }
0x1a: {  	s8 =	sadd.s32 $0xFFFFE003, lr  }
0x1b: {  	s9 =	sadd.s32 $0xFFFFFEF7, lr;
	s5 =	simm.s32 $0xFFFFFFFF;
	p2 =	slt.u32 s8, $0xFFFFF086  }
0x1c: {  	p1 =	slt.u32 s9, $0xF7A;
	s5 =	simm.s32 @!p2 $0x0  }
0x1d: {  	s5 =	simm.s32 @p1 $0x1;
	p0 =	seq.s32 s7, s2  }
0x1e: {  	s7 =	smul.u32 @!p0 $0xF7A, s2;
	p2 =	seq.s32 @!p0 s5, $0x0  }
0x1f: {  	s9 =	smul.u32 $0xF7A, s1;
	s8 =	simm.s32 @!p0 $0x1BF5;
	p2 =	por !p2, p0  }
0x20: {  	[sflag:s8] =	ssyncset.s32 @!p0 $0xFFFFF086;
	s6 =	sadd.s32 @!p0 s3, s7;
	s7 =	simm.s32 @!p0 $0x108  }
0x21: {  	s3 =	sadd.s32 s3, s9;
	s6 =	sadd.s32 @!p0 $0x88, s6;
	s7 =	simm.s32 @p2 $0x1082  }
0x22: {  	[simem:s7], [sflag:s8] =	dma.local @!p0 [hbm:s6], $0xF7A  }
0x23: {  	s9 =	sor.u32 $0xD0000000, s2;
	s6 =	simm.s32 $0x108;
	_ =	swait.ge @!p0 [sflag:s8], $0x0  }
0x24: {  	s3 =	sadd.s32 $0x88, s3;
	s6 =	simm.s32 @!p1 $0x1082;
	[sflag:s4] =	ssyncset.s32 $0xFFFFF086  }
0x25: {  	[simem:s6], [sflag:s4] =	dma.local [hbm:s3], $0xF7A  }
0x26: {  	[smem:$0x3F9F] =	sst s1;
	(tag) =	ssettag s2;
	_ =	strace s9  }
0x27: {  	s1 =	sld [smem:$0x3FAF]  }
0x28: {  	s2 =	sld [smem:$0x3FB0]  }
0x29: {  	s4 =	sld [smem:$0x3FB2]  }
0x2a: {  	p0 =	seq.s32 s5, $0x0;
	s5 =	sld [smem:$0x3FB3]  }
0x2b: {  	s6 =	sld [smem:$0x3FB4]  }
0x2c: {  	s7 =	sld [smem:$0x3FB5]  }
0x2d: {  	s3 =	simm.s32 $0x108;
	s8 =	sld [smem:$0x3FB6]  }
0x2e: {  	s3 =	simm.s32 @!p0 $0x1082;
	s9 =	sld [smem:$0x3FB7]  }
0x2f: {  	lr =	sadd.s32 s0, s3;
	s0 =	sld [smem:$0x3FAE]  }
0x30: {  	s3 =	sld [smem:$0x3FB1]  }
0x31: {  	[smem:$0x3FBA] =	sst s10  }
0x32: {  	s10 =	sld [smem:$0x3FB8];
	_ =	sdelay $0x3  }
0x33: {  	p0 =	seq.s32 s10, $0x1;
	s10 =	sld [smem:$0x3FBA];
	_ =	sdelay $0x3  }
0x34: {  	[smem:$0x3FBA] =	sst s10  }
0x35: {  	s10 =	sld [smem:$0x3FB9];
	_ =	sdelay $0x3  }
0x36: {  	p1 =	seq.s32 s10, $0x1;
	s10 =	sld [smem:$0x3FBA];
	_ =	sdelay $0x3  }
0x37: {  	[smem:$0x3FBA] =	sst s10  }
0x38: {  	s10 =	sld [smem:$0x3FBB]  }
0x39: {  	_ = 	snop;
	(pc) =	sbr.ind lr, $3  }
0x3a: {  	_ = 	snop  }
0x3b: {  	_ = 	snop  }
0x3c: {  	p2 =	seq.s32 s10, $0x1;
	s10 =	sld [smem:$0x3FBA]  }
0x3d: {  	_ =	shalt  }
0x3e: {  	_ =	shalt  }
0x3f: {  	_ =	shalt  }
0x40: {  	_ =	shalt  }
0x41: {  	_ =	shalt  }
0x42: {  	_ =	shalt  }
0x43: {  	_ =	shalt  }
0x44: {  	_ =	shalt  }
0x45: {  	_ =	shalt  }
0x46: {  	_ =	shalt  }
0x47: {  	_ =	shalt  }
0x48: {  	_ =	shalt  }
0x49: {  	_ =	shalt  }
0x4a: {  	_ =	shalt  }
0x4b: {  	_ =	shalt  }
0x4c: {  	_ =	shalt  }
0x4d: {  	_ =	shalt  }
0x4e: {  	_ =	shalt  }
0x4f: {  	_ =	shalt  }
0x50: {  	_ =	shalt  }
0x51: {  	_ =	shalt  }
0x52: {  	_ =	shalt  }
0x53: {  	_ =	shalt  }
0x54: {  	_ =	shalt  }
0x55: {  	_ =	shalt  }
0x56: {  	_ =	shalt  }
0x57: {  	_ =	shalt  }
0x58: {  	_ =	shalt  }
0x59: {  	_ =	shalt  }
0x5a: {  	_ =	shalt  }
0x5b: {  	_ =	shalt  }
0x5c: {  	_ =	shalt  }
0x5d: {  	_ =	shalt  }
0x5e: {  	_ =	shalt  }
0x5f: {  	_ =	shalt  }
0x60: {  	_ =	shalt  }
0x61: {  	_ =	shalt  }
0x62: {  	_ =	shalt  }
0x63: {  	_ =	shalt  }
0x64: {  	_ =	shalt  }
0x65: {  	_ =	shalt  }
0x66: {  	_ =	shalt  }
0x67: {  	_ =	shalt  }
0x68: {  	_ =	shalt  }
0x69: {  	_ =	shalt  }
0x6a: {  	_ =	shalt  }
0x6b: {  	_ =	shalt  }
0x6c: {  	_ =	shalt  }
0x6d: {  	_ =	shalt  }
0x6e: {  	_ =	shalt  }
0x6f: {  	_ =	shalt  }
0x70: {  	_ =	shalt  }
0x71: {  	_ =	shalt  }
0x72: {  	_ =	shalt  }
0x73: {  	_ =	shalt  }
0x74: {  	_ =	shalt  }
0x75: {  	_ =	shalt  }
0x76: {  	_ =	shalt  }
0x77: {  	_ =	shalt  }
0x78: {  	_ =	shalt  }
0x79: {  	_ =	shalt  }
0x7a: {  	_ =	shalt  }
0x7b: {  	_ =	shalt  }
0x7c: {  	_ =	shalt  }
0x7d: {  	_ =	shalt  }
0x7e: {  	_ =	shalt  }
0x7f: {  	_ =	shalt  }
0x80: {  	_ =	shalt  }
0x81: {  	_ =	shalt  }
0x82: {  	_ =	shalt  }
0x83: {  	_ =	shalt  }
0x84: {  	_ =	shalt  }
0x85: {  	_ =	shalt  }
0x86: {  	_ =	shalt  }
0x87: {  	_ =	shalt  }
.Lfunc_end0:
.L_simem_size_0:
called_computation_lowered:
.L_overlay_start_0:
0x88: {  	s2 =	sld [smem:$0x3FD9]  }
0x89: {  	s3 =	sld [smem:$0x3FFE];
	_ =	sdelay $0x1  }
0x8a: {  	s1 =	srdreg.scid  }
0x8b: {  	s0 =	sand.u32 $0x1, s1  }
0x8c: {  	s17 =	sshll.u32 s0, $0xA;
	s2 =	sadd.s32 s3, s2  }
0x8d: {  	s2 =	sadd.s32 s2, s17  }
0x8e: {  	[smem:$0x3FC6] =	sst s2  }
0x8f: {  	_ = 	snop  }
0x90: {  	s2 =	sld [smem:$0x3FD0];
	(tm) =	ssettm $0x1  }
0x91: {  	s18 =	sld [smem:$0x3FFB];
	_ =	sdelay $0x3  }
0x92: {  	_ =	strace s18  }
0x93: {  	s3 =	sld [smem:$0x3FFC];
	_ =	sdelay $0x3  }
0x94: {  	_ =	strace s3  }
0x95: {  	s3 =	sld [smem:$0x3FFD];
	_ =	sdelay $0x3  }
0x96: {  	_ =	strace s3  }
0x97: {  	_ =	strace $0x8FFFFFFF  }
0x98: {  	s19 =	sld [smem:$0x3FDB];
	_ =	sdelay $0x1  }
0x99: {  	s4 =	simm.s32 $_scs_section_size  }
0x9a: {  	s5 =	simm.s32 $_size__tile_overlayer_lowered;
	s6 =	simm.s32 $_tile_overlayer_lowered  }
0x9b: {  	s22 =	simm.s32 $0x1BFF;
	s21 =	sshll.u32 s6, $0x1;
	s3 =	sadd.s32 s4, s19  }
0x9c: {  	s7 =	simm.s32 $0x0;
	s20 =	sshll.u32 s5, $0x1;
	s5 =	sadd.s32 s21, s3  }
0x9d: {  	[timem:s7], [sflag:s22] =	dma.local [hbm:s5], s20  }
0x9e: {  	_ =	swait.ge [sflag:s22], s20  }
0x9f: {  	s4 =	ssub.s32 $0x0, s20;
	[sflag:s22] =	ssyncset.done $0x0  }
0xa0: {  	[sflag:s22] =	ssyncadd.s32 s4;
	_ =	sdelay $0x1  }
0xa1: {  	s23 =	simm.s32 $0x1B8B  }
0xa2: {  	_ =	swait.ge [sflag:s23], $0x1  }
0xa3: {  	[sflag:s23] =	ssyncset.done $0x0  }
0xa4: {  	s25 =	simm.s32 $0x1B8E;
	s24 =	sld [smem:$0x3FFE];
	[sflag:s23] =	ssyncadd.s32 $0xFFFFFFFF  }
0xa5: {  	s26 =	simm.s32 $execute0_lowered;
	[smem:$0x3FD2] =	sst s25  }
0xa6: {  	s5 =	sshll.u32 s26, $0x1;
	_ =	strace $0x80000046;
	[dreg:$0x1] =	wrdreg $0xFFFFFFFF  }
0xa7: {  	s28 =	simm.s32 $_size_execute0_lowered;
	s3 =	sadd.s32 s3, s5;
	[dreg:$0x0] =	wrdreg $0x0  }
0xa8: {  	s5 =	sshll.u32 s28, $0x1;
	[dreg:$0x2] =	wrdreg s3  }
0xa9: {  	[dreg:$0x3] =	wrdreg s5  }
0xaa: {  	[dreg:$0x4] =	wrdreg $0xC0  }
0xab: {  	_ =	task [dreg:s7], $0x5FFFF  }
0xac: {  	[dreg:$0x1] =	wrdreg $0xFFFFFFFF  }
0xad: {  	[dreg:$0x0] =	wrdreg $0x60  }
0xae: {  	[dreg:$0x2] =	wrdreg s24  }
0xaf: {  	[dreg:$0x3] =	wrdreg s2  }
0xb0: {  	[dreg:$0x4] =	wrdreg $0x9  }
0xb1: {  	_ =	task.clear_ibuf [dreg:s7], $0x5FFFF;
	_ =	strace $0x90000046  }
0xb2: {  	s29 =	simm.s32 $0x9;
	_ =	strace $0x80000048  }
0xb3: {  	_ =	swait.ge [sflag:s29], $0x1  }
0xb4: {  	[sflag:s29] =	ssyncadd.s32 $0xFFFFFFFF  }
0xb5: {  	_ =	strace $0x90000048  }
0xb6: {  	_ =	sfence  }
0xb7: {  	s30 =	sld [smem:$0x0];
	_ =	sdelay $0x2  }
0xb8: {  	s31 =	sshll.u32 s1, $0xD;
	s1 =	sshrl.u32 s1, $0x2  }
0xb9: {  	s3 =	sand.u32 $0x4000, s31;
	s1 =	sadd.s32 s1, s30  }
0xba: {  	s0 =	sor.u32 s3, s0;
	s1 =	sshll.u32 s1, $0x11  }
0xbb: {  	s0 =	sor.u32 s1, s0  }
0xbc: {  	s0 =	sadd.s32 $0x8F2B, s0  }
0xbd: {  	[sflag:s0] =	ssyncadd.remote.s32 $0x1  }
0xbe: {  	_ =	sfence.sel $0xFFFF  }
0xbf: {  	[dreg:$0x0] =	wrdreg $0xFFFFFFFF;
	(pc) =	sbr.abs _section_cstart, $3  }
0xc0: {  	[dreg:$0x1] =	wrdreg $0xFFFFFFFF  }
0xc1: {  	_ =	task.clear_ibuf [dreg:s7], $0x2FFFF;
	_ =	strace $0x9FFFFFFF  }
0xc2: {  	(tm) =	ssettm $0x7FFFFFFF  }
0xc3: {  	_ =	shalt  }
tec
execute0_lowered:
.L_overlay_start_1:
0x0: {  	(tag) =	ssettag $0x1  }
0x1: {  	s3 =	rddreg [dreg:$0x0];
	s1 =	srdreg.scid  }
0x2: {  	s0 =	stileid.u32;
	s6 =	rddreg [dreg:$0x1];
	s2 =	simm.s32 $0x0  }
0x3: {  	s14 =	simm.s32 $0x3;
	s15 =	simm.s32 $0x1A0;
	s16 =	simm.s32 $0xDD00  }
0x4: {  	s17 =	simm.s32 $0x1;
	s18 =	simm.s32 $0x340;
	s19 =	simm.s32 $0xD00  }
0x5: {  	s20 =	simm.s32 $0x2;
	s21 =	simm.s32 $0x4E0;
	s22 =	simm.s32 $0x680  }
0x6: {  	s23 =	simm.s32 $0x820;
	s4 =	sand.u32 $0x1, s1;
	s5 =	sshll.u32 s0, $0x1  }
0x7: {  	s24 =	simm.s32 $0x9C0;
	s25 =	simm.s32 $0xB60;
	s5 =	sor.u32 s4, s5  }
0x8: {  	s26 =	simm.s32 $0x0;
	s1 =	rddreg [dreg:$0x2];
	s7 =	smul.u32 $0x1A0, s5  }
0x9: {  	[smem:$0x7FF] =	sst s2;
	s4 =	ssub.s32 $0x2, s4;
	s8 =	smul.u32 $0x34000, s5  }
0xa: {  	_ =	strace $0x80000047;
	s9 =	sshrl.u32 s4, $0x1;
	s5 =	smul.u32 $0x6800, s5  }
0xb: {  	s13 =	ssub.s32 s4, s9;
	s7 =	sadd.s32 s7, s3;
	s8 =	sshrl.u32 s8, $0x3  }
0xc: {  	s3 =	sadd.s32 $0xF45E00, s3;
	s5 =	sadd.s32 s6, s5;
	s12 =	sadd.s32 s6, s8  }
0xd: {  	s13 =	smax.u32 s13, $0x1;
	s4 =	sadd.s32 $0xF42A00, s7;
	s6 =	sadd.s32 $0xD00, s12  }
0xe: {  	s7 =	sadd.s32 $0x1A00, s12;
	s8 =	sadd.s32 $0x2700, s12;
	s9 =	sadd.s32 $0x3400, s12  }
0xf: {  	v0 =	vlaneseq.u32;
	s10 =	sadd.s32 $0x4100, s12;
	s11 =	sadd.s32 $0x4E00, s12;
	s12 =	sadd.s32 $0x5B00, s12  }
.LBB2_1:
0x10: {  	[tilespmem:s2], [sflag:$0x3] =	stream.linear.gather [hbm4b:s4+s2], $0xD00, $0x38;
	v1 =	vor.u32 s2, v0;
	[tilespmem:$0x1AD00] =	vst v63  }
0x11: {  	_ =	swait.ge [sflag:s14], $0xD00;
	v2 =	vmulhi.u32 $0x4EC4EC4F, v1  }
0x12: {  	[sflag:s14] =	ssyncset.done $0x0  }
0x13: {  	[sflag:s14] =	ssyncadd.s32 $0xFFFFF300;
	v2 =	vshrl.u32 v2, $0x3  }
0x14: {  	v2 =	vmul.u32 $0x1A, v2;
	v3 =	vld [tilespmem:s22+$0xFFFFF980]  }
0x15: {  	v5 =	vld [tilespmem:s22+$0xFFFFFE60]  }
0x16: {  	v4 =	vld [tilespmem:s22+$0xFFFFFB20];
	v1 =	vsub.s32 v1, v2  }
0x17: {  	s28 =	simm.s32 $0x10;
	v2 =	vld [tilespmem:s22+$0xFFFFFCC0];
	v1 =	vmul.u32 $0x963D, v1  }
0x18: {  	v7 =	vor.u32 s28, v0;
	v8 =	vld [tilespmem:s22+$0x0]  }
0x19: {  	v6 =	vmulhi.u32 $0x4EC4EC4F, v7;
	v9 =	vld [tilespmem:s22+$0x1A0];
	v3 =	vadd.s32 v1, v3  }
0x1a: {  	v10 =	vld [tilespmem:s22+$0x340];
	v5 =	vadd.s32 v1, v5;
	[tilespmem:s22+$0xFFFFF980] =	vst v3  }
0x1b: {  	s28 =	simm.s32 $0x690;
	v6 =	vshrl.u32 v6, $0x3;
	v3 =	vadd.s32 v1, v4;
	v4 =	vld [tilespmem:s22+$0x4E0];
	[tilespmem:s22+$0xFFFFFE60] =	vst v5  }
0x1c: {  	[tilespmem:s22+$0xFFFFFB20] =	vst v3;
	v2 =	vadd.s32 v1, v2;
	v3 =	vmul.u32 $0x1A, v6;
	v6 =	vld [tilespmem:s28+$0xFFFFF980]  }
0x1d: {  	v8 =	vadd.s32 v1, v8;
	[tilespmem:s22+$0xFFFFFCC0] =	vst v2;
	v2 =	vld [tilespmem:s28+$0xFFFFFB20]  }
0x1e: {  	[tilespmem:s22+$0x0] =	vst v8;
	v8 =	vadd.s32 v1, v9;
	v3 =	vsub.s32 v7, v3;
	v5 =	vld [tilespmem:s28+$0xFFFFFCC0]  }
0x1f: {  	s30 =	simm.s32 $0x20;
	s29 =	simm.s32 $0x680;
	[tilespmem:s22+$0x1A0] =	vst v8;
	v8 =	vadd.s32 v1, v10;
	v7 =	vmul.u32 $0x963D, v3;
	v3 =	vld [tilespmem:s28+$0xFFFFFE60]  }
.LBB2_2:
0x20: {  	v9 =	vor.u32 s30, v0;
	p0 =	sne.s32 s30, $0x190;
	v10 =	vld [tilespmem:s28+$0x0];
	[tilespmem:s29+$0x340] =	vst v8;
	v11 =	vadd.s32 v1, v4  }
0x21: {  	v4 =	vmulhi.u32 $0x4EC4EC4F, v9;
	v6 =	vadd.s32 v7, v6;
	v8 =	vld [tilespmem:s28+$0x1A0];
	[tilespmem:s29+$0x4E0] =	vst v11;
	v1 =	vmov v7;
	s29 =	smov.u32 s28  }
0x22: {  	[tilespmem:s28+$0xFFFFF980] =	vst v6;
	v2 =	vadd.s32 v1, v2;
	v11 =	vld [tilespmem:s28+$0x340]  }
.Ltmp0:
0x23: {  	s28 =	sadd.s32 $0x10, s28;
	v6 =	vshrl.u32 v4, $0x3;
	[tilespmem:s29+$0xFFFFFB20] =	vst v2;
	v2 =	vadd.s32 v1, v5;
	v4 =	vld [tilespmem:s29+$0x4E0];
	(pc) =	sbr.rel @p0 .LBB2_2-.Ltmp0, $4  }
0x24: {  	v5 =	vmul.u32 $0x1A, v6;
	v6 =	vld [tilespmem:s28+$0xFFFFF980];
	[tilespmem:s29+$0xFFFFFCC0] =	vst v2;
	v3 =	vadd.s32 v1, v3  }
0x25: {  	v2 =	vld [tilespmem:s28+$0xFFFFFB20];
	[tilespmem:s29+$0xFFFFFE60] =	vst v3;
	v3 =	vadd.s32 v1, v10  }
0x26: {  	v7 =	vsub.s32 v9, v5;
	v5 =	vld [tilespmem:s28+$0xFFFFFCC0];
	[tilespmem:s29+$0x0] =	vst v3;
	v8 =	vadd.s32 v1, v8  }
0x27: {  	s30 =	sadd.s32 $0x10, s30;
	v7 =	vmul.u32 $0x963D, v7;
	v3 =	vld [tilespmem:s28+$0xFFFFFE60];
	[tilespmem:s29+$0x1A0] =	vst v8;
	v8 =	vadd.s32 v1, v11  }
0x28: {  	v9 =	vld [tilespmem:s28+$0x0];
	[tilespmem:s29+$0x340] =	vst v8;
	v1 =	vadd.s32 v1, v4  }
0x29: {  	v62 =	vld [tilespmem:s28+$0x1A0];
	v61 =	vadd.s32 v7, v6;
	[tilespmem:s29+$0x4E0] =	vst v1  }
0x2a: {  	[tilespmem:s28+$0xFFFFF980] =	vst v61;
	v1 =	vadd.s32 v7, v2;
	v2 =	vld [tilespmem:s28+$0x340]  }
0x2b: {  	v63 =	vld [tilespmem:s28+$0x4E0];
	[tilespmem:s28+$0xFFFFFB20] =	vst v1;
	v1 =	vadd.s32 v7, v5  }
0x2c: {  	[tilespmem:s28+$0xFFFFFCC0] =	vst v1;
	v1 =	vadd.s32 v7, v3  }
0x2d: {  	[tilespmem:s28+$0xFFFFFE60] =	vst v1;
	v1 =	vadd.s32 v7, v9  }
0x2e: {  	[tilespmem:s28+$0x0] =	vst v1;
	v1 =	vadd.s32 v7, v62  }
0x2f: {  	[tilespmem:s28+$0x1A0] =	vst v1;
	v1 =	vadd.s32 v7, v2  }
0x30: {  	[tilespmem:s28+$0x340] =	vst v1;
	v1 =	vadd.s32 v7, v63  }
0x31: {  	s29 =	simm.s32 $0x0;
	[tilespmem:s28+$0x4E0] =	vst v1;
	s28 =	simm.s32 $0xD00  }
0x32: {  	[tilespmem:s28], [sflag:$0x1] =	stream.indirect.gather [hbm4b:s3+s15], $0x80, s29, s15, $0xb8;
	[tilespmem:$0x1AD00] =	vst v63  }
0x33: {  	_ = 	snop  }
0x34: {  	[tilespmem:s16], [sflag:$0x2] =	stream.indirect.gather [hbm4b:s3+s15], $0x80, s15, s15, $0xb8;
	[tilespmem:$0x1AD00] =	vst v63  }
0x35: {  	_ =	swait.ge [sflag:s17], $0xD000  }
0x36: {  	s31 =	sadd.s32 $0x0, s5;
	[sflag:s17] =	ssyncset.done $0x0  }
0x37: {  	s30 =	simm.s32 $0xD80;
	s29 =	simm.s32 $0x8;
	[sflag:s17] =	ssyncadd.s32 $0xFFFF3000  }
.LBB2_4:
0x38: {  	[hbm4b:s31+s2] =	stream.linear.scatter [tilespmem:s28], [sflag:$0x3], $0x40, $0x38;
	[tilespmem:$0x1AD00] =	vst v63  }
0x39: {  	s31 =	smov.u32 s29;
	s28 =	smov.u32 s30;
	p0 =	sne.s32 s29, $0xCF8  }
.Ltmp1:
0x3a: {  	s29 =	sadd.s32 $0x8, s29;
	(pc) =	sbr.rel @p0 .LBB2_4-.Ltmp1, $2  }
0x3b: {  	_ =	sdelay $0x2  }
0x3c: {  	s30 =	sadd.s32 $0x80, s30;
	s31 =	sadd.s32 s31, s5  }
0x3d: {  	[hbm4b:s31+s2] =	stream.linear.scatter [tilespmem:s28], [sflag:$0x3], $0x40, $0x38;
	[tilespmem:$0x1AD00] =	vst v63  }
0x3e: {  	_ =	swait.ge [sflag:s14], $0x6800  }
0x3f: {  	[sflag:s14] =	ssyncset.done $0x0  }
0x40: {  	[sflag:s14] =	ssyncadd.s32 $0xFFFF9800  }
0x41: {  	[tilespmem:s19], [sflag:$0x1] =	stream.indirect.gather [hbm4b:s3+s15], $0x80, s18, s15, $0xb8;
	[tilespmem:$0x1AD00] =	vst v63  }
0x42: {  	_ =	swait.ge [sflag:s20], $0xD000  }
0x43: {  	s28 =	simm.s32 $0xDD00;
	s29 =	simm.s32 $0x8;
	[sflag:s20] =	ssyncset.done $0x0  }
0x44: {  	s31 =	sadd.s32 $0x0, s6;
	s30 =	simm.s32 $0xDD80;
	[sflag:s20] =	ssyncadd.s32 $0xFFFF3000  }
.LBB2_6:
0x45: {  	[hbm4b:s31+s2] =	stream.linear.scatter [tilespmem:s28], [sflag:$0x3], $0x40, $0x38;
	[tilespmem:$0x1AD00] =	vst v63  }
0x46: {  	s31 =	smov.u32 s29;
	s28 =	smov.u32 s30;
	p0 =	sne.s32 s29, $0xCF8  }
.Ltmp2:
0x47: {  	s29 =	sadd.s32 $0x8, s29;
	(pc) =	sbr.rel @p0 .LBB2_6-.Ltmp2, $2  }
0x48: {  	_ =	sdelay $0x2  }
0x49: {  	s30 =	sadd.s32 $0x80, s30;
	s31 =	sadd.s32 s31, s6  }
0x4a: {  	[hbm4b:s31+s2] =	stream.linear.scatter [tilespmem:s28], [sflag:$0x3], $0x40, $0x38;
	[tilespmem:$0x1AD00] =	vst v63  }
0x4b: {  	_ =	swait.ge [sflag:s14], $0x6800  }
0x4c: {  	[sflag:s14] =	ssyncset.done $0x0  }
0x4d: {  	[sflag:s14] =	ssyncadd.s32 $0xFFFF9800  }
0x4e: {  	[tilespmem:s16], [sflag:$0x2] =	stream.indirect.gather [hbm4b:s3+s15], $0x80, s21, s15, $0xb8;
	[tilespmem:$0x1AD00] =	vst v63  }
0x4f: {  	_ =	swait.ge [sflag:s17], $0xD000  }
0x50: {  	s28 =	simm.s32 $0xD00;
	s29 =	simm.s32 $0x8;
	[sflag:s17] =	ssyncset.done $0x0  }
0x51: {  	s31 =	sadd.s32 $0x0, s7;
	s30 =	simm.s32 $0xD80;
	[sflag:s17] =	ssyncadd.s32 $0xFFFF3000  }
.LBB2_8:
0x52: {  	[hbm4b:s31+s2] =	stream.linear.scatter [tilespmem:s28], [sflag:$0x3], $0x40, $0x38;
	[tilespmem:$0x1AD00] =	vst v63  }
0x53: {  	s31 =	smov.u32 s29;
	s28 =	smov.u32 s30;
	p0 =	sne.s32 s29, $0xCF8  }
.Ltmp3:
0x54: {  	s29 =	sadd.s32 $0x8, s29;
	(pc) =	sbr.rel @p0 .LBB2_8-.Ltmp3, $2  }
0x55: {  	_ =	sdelay $0x2  }
0x56: {  	s30 =	sadd.s32 $0x80, s30;
	s31 =	sadd.s32 s31, s7  }
0x57: {  	[hbm4b:s31+s2] =	stream.linear.scatter [tilespmem:s28], [sflag:$0x3], $0x40, $0x38;
	[tilespmem:$0x1AD00] =	vst v63  }
0x58: {  	_ =	swait.ge [sflag:s14], $0x6800  }
0x59: {  	[sflag:s14] =	ssyncset.done $0x0  }
0x5a: {  	[sflag:s14] =	ssyncadd.s32 $0xFFFF9800  }
0x5b: {  	[tilespmem:s19], [sflag:$0x1] =	stream.indirect.gather [hbm4b:s3+s15], $0x80, s22, s15, $0xb8;
	[tilespmem:$0x1AD00] =	vst v63  }
0x5c: {  	_ =	swait.ge [sflag:s20], $0xD000  }
0x5d: {  	s28 =	simm.s32 $0xDD00;
	s29 =	simm.s32 $0x8;
	[sflag:s20] =	ssyncset.done $0x0  }
0x5e: {  	s31 =	sadd.s32 $0x0, s8;
	s30 =	simm.s32 $0xDD80;
	[sflag:s20] =	ssyncadd.s32 $0xFFFF3000  }
.LBB2_10:
0x5f: {  	[hbm4b:s31+s2] =	stream.linear.scatter [tilespmem:s28], [sflag:$0x3], $0x40, $0x38;
	[tilespmem:$0x1AD00] =	vst v63  }
0x60: {  	s31 =	smov.u32 s29;
	s28 =	smov.u32 s30;
	p0 =	sne.s32 s29, $0xCF8  }
.Ltmp4:
0x61: {  	s29 =	sadd.s32 $0x8, s29;
	(pc) =	sbr.rel @p0 .LBB2_10-.Ltmp4, $2  }
0x62: {  	_ =	sdelay $0x2  }
0x63: {  	s30 =	sadd.s32 $0x80, s30;
	s31 =	sadd.s32 s31, s8  }
0x64: {  	[hbm4b:s31+s2] =	stream.linear.scatter [tilespmem:s28], [sflag:$0x3], $0x40, $0x38;
	[tilespmem:$0x1AD00] =	vst v63  }
0x65: {  	_ =	swait.ge [sflag:s14], $0x6800  }
0x66: {  	[sflag:s14] =	ssyncset.done $0x0  }
0x67: {  	[sflag:s14] =	ssyncadd.s32 $0xFFFF9800  }
0x68: {  	[tilespmem:s16], [sflag:$0x2] =	stream.indirect.gather [hbm4b:s3+s15], $0x80, s23, s15, $0xb8;
	[tilespmem:$0x1AD00] =	vst v63  }
0x69: {  	_ =	swait.ge [sflag:s17], $0xD000  }
0x6a: {  	s28 =	simm.s32 $0xD00;
	s29 =	simm.s32 $0x8;
	[sflag:s17] =	ssyncset.done $0x0  }
0x6b: {  	s31 =	sadd.s32 $0x0, s9;
	s30 =	simm.s32 $0xD80;
	[sflag:s17] =	ssyncadd.s32 $0xFFFF3000  }
.LBB2_12:
0x6c: {  	[hbm4b:s31+s2] =	stream.linear.scatter [tilespmem:s28], [sflag:$0x3], $0x40, $0x38;
	[tilespmem:$0x1AD00] =	vst v63  }
0x6d: {  	s31 =	smov.u32 s29;
	s28 =	smov.u32 s30;
	p0 =	sne.s32 s29, $0xCF8  }
.Ltmp5:
0x6e: {  	s29 =	sadd.s32 $0x8, s29;
	(pc) =	sbr.rel @p0 .LBB2_12-.Ltmp5, $2  }
0x6f: {  	_ =	sdelay $0x2  }
0x70: {  	s30 =	sadd.s32 $0x80, s30;
	s31 =	sadd.s32 s31, s9  }
0x71: {  	[hbm4b:s31+s2] =	stream.linear.scatter [tilespmem:s28], [sflag:$0x3], $0x40, $0x38;
	[tilespmem:$0x1AD00] =	vst v63  }
0x72: {  	_ =	swait.ge [sflag:s14], $0x6800  }
0x73: {  	[sflag:s14] =	ssyncset.done $0x0  }
0x74: {  	[sflag:s14] =	ssyncadd.s32 $0xFFFF9800  }
0x75: {  	[tilespmem:s19], [sflag:$0x1] =	stream.indirect.gather [hbm4b:s3+s15], $0x80, s24, s15, $0xb8;
	[tilespmem:$0x1AD00] =	vst v63  }
0x76: {  	_ =	swait.ge [sflag:s20], $0xD000  }
0x77: {  	s28 =	simm.s32 $0xDD00;
	s29 =	simm.s32 $0x8;
	[sflag:s20] =	ssyncset.done $0x0  }
0x78: {  	s31 =	sadd.s32 $0x0, s10;
	s30 =	simm.s32 $0xDD80;
	[sflag:s20] =	ssyncadd.s32 $0xFFFF3000  }
.LBB2_14:
0x79: {  	[hbm4b:s31+s2] =	stream.linear.scatter [tilespmem:s28], [sflag:$0x3], $0x40, $0x38;
	[tilespmem:$0x1AD00] =	vst v63  }
0x7a: {  	s31 =	smov.u32 s29;
	s28 =	smov.u32 s30;
	p0 =	sne.s32 s29, $0xCF8  }
.Ltmp6:
0x7b: {  	s29 =	sadd.s32 $0x8, s29;
	(pc) =	sbr.rel @p0 .LBB2_14-.Ltmp6, $2  }
0x7c: {  	_ =	sdelay $0x2  }
0x7d: {  	s30 =	sadd.s32 $0x80, s30;
	s31 =	sadd.s32 s31, s10  }
0x7e: {  	[hbm4b:s31+s2] =	stream.linear.scatter [tilespmem:s28], [sflag:$0x3], $0x40, $0x38;
	[tilespmem:$0x1AD00] =	vst v63  }
0x7f: {  	_ =	swait.ge [sflag:s14], $0x6800  }
0x80: {  	[sflag:s14] =	ssyncset.done $0x0  }
0x81: {  	[sflag:s14] =	ssyncadd.s32 $0xFFFF9800  }
0x82: {  	[tilespmem:s16], [sflag:$0x2] =	stream.indirect.gather [hbm4b:s3+s15], $0x80, s25, s15, $0xb8;
	[tilespmem:$0x1AD00] =	vst v63  }
0x83: {  	_ =	swait.ge [sflag:s17], $0xD000  }
0x84: {  	s28 =	simm.s32 $0xD00;
	s29 =	simm.s32 $0x8;
	[sflag:s17] =	ssyncset.done $0x0  }
0x85: {  	s31 =	sadd.s32 $0x0, s11;
	s30 =	simm.s32 $0xD80;
	[sflag:s17] =	ssyncadd.s32 $0xFFFF3000  }
.LBB2_16:
0x86: {  	[hbm4b:s31+s2] =	stream.linear.scatter [tilespmem:s28], [sflag:$0x3], $0x40, $0x38;
	[tilespmem:$0x1AD00] =	vst v63  }
0x87: {  	s31 =	smov.u32 s29;
	s28 =	smov.u32 s30;
	p0 =	sne.s32 s29, $0xCF8  }
.Ltmp7:
0x88: {  	s29 =	sadd.s32 $0x8, s29;
	(pc) =	sbr.rel @p0 .LBB2_16-.Ltmp7, $2  }
0x89: {  	_ =	sdelay $0x2  }
0x8a: {  	s30 =	sadd.s32 $0x80, s30;
	s31 =	sadd.s32 s31, s11  }
0x8b: {  	[hbm4b:s31+s2] =	stream.linear.scatter [tilespmem:s28], [sflag:$0x3], $0x40, $0x38;
	[tilespmem:$0x1AD00] =	vst v63  }
0x8c: {  	_ =	swait.ge [sflag:s14], $0x6800  }
0x8d: {  	[sflag:s14] =	ssyncset.done $0x0  }
0x8e: {  	[sflag:s14] =	ssyncadd.s32 $0xFFFF9800  }
0x8f: {  	_ =	swait.ge [sflag:s20], $0xD000  }
0x90: {  	s28 =	simm.s32 $0xDD00;
	s29 =	simm.s32 $0x8;
	[sflag:s20] =	ssyncset.done $0x0  }
0x91: {  	s31 =	sadd.s32 $0x0, s12;
	s30 =	simm.s32 $0xDD80;
	[sflag:s20] =	ssyncadd.s32 $0xFFFF3000  }
.LBB2_18:
0x92: {  	[hbm4b:s31+s2] =	stream.linear.scatter [tilespmem:s28], [sflag:$0x3], $0x40, $0x38;
	[tilespmem:$0x1AD00] =	vst v63  }
0x93: {  	s31 =	smov.u32 s29;
	s28 =	smov.u32 s30;
	p0 =	sne.s32 s29, $0xCF8  }
.Ltmp8:
0x94: {  	s29 =	sadd.s32 $0x8, s29;
	(pc) =	sbr.rel @p0 .LBB2_18-.Ltmp8, $2  }
0x95: {  	_ =	sdelay $0x2  }
0x96: {  	s30 =	sadd.s32 $0x80, s30;
	s31 =	sadd.s32 s31, s12  }
0x97: {  	s26 =	sadd.s32 $0x1, s26  }
0x98: {  	p0 =	sne.s32 s26, s13  }
.Ltmp9:
0x99: {  	_ = 	snop;
	(pc) =	sbr.rel @p0 .LBB2_1-.Ltmp9, $4  }
0x9a: {  	[hbm4b:s31+s2] =	stream.linear.scatter [tilespmem:s28], [sflag:$0x3], $0x40, $0x38;
	[tilespmem:$0x1AD00] =	vst v63  }
0x9b: {  	_ =	swait.ge [sflag:s14], $0x6800  }
0x9c: {  	[sflag:s14] =	ssyncset.done $0x0  }
0x9d: {  	[sflag:s14] =	ssyncadd.s32 $0xFFFF9800  }
0x9e: {  	_ =	sfence.sel $0x180000  }
0x9f: {  	[bflag:$0x0] =	sbarrier.arrive $0xFFFF  }
0xa0: {  	p0 =	sne.s32 s0, $0x0;
	_ =	strace $0x90000047  }
0xa1: {  	s0 =	sadd.s32 @!p0 $0x100000, s1;
	[bflag:$0x2] =	sbarrier.arrive $0xFFFF  }
0xa2: {  	[sflag:s0] =	ssyncadd.tile.s32 @!p0 $0x1;
	_ =	shalt  }
.Lfunc_end2:
_tile_overlayer_lowered:
.L_overlay_start_2:
0xa3: {  	(tag) =	ssettag $0x2  }
0xa4: {  	s0 =	rddreg [dreg:$0x0];
	s2 =	stileid.u32  }
0xa5: {  	s1 =	rddreg [dreg:$0x1];
	p0 =	sne.s32 s2, $0x0  }
0xa6: {  	s3 =	rddreg [dreg:$0x2];
	[bflag:$0x3] =	sbarrier.arrive $0xFFFF;
	s2 =	simm.s32 @!p0 $0x1C03  }
0xa7: {  	[timem:s3], [sflag:s2] =	dma.local @!p0 [hbm:s0], s1  }
0xa8: {  	s0 =	simm.s32 @!p0 $0x3  }
0xa9: {  	_ =	swait.ge @!p0 [sflag:s0], s1  }
0xaa: {  	s1 =	ssub.s32 @!p0 $0x0, s1;
	[sflag:s0] =	ssyncset.done @!p0 $0x0  }
0xab: {  	[sflag:s0] =	ssyncadd.s32 @!p0 s1  }
0xac: {  	[bflag:$0x3] =	sbarrier.arrive $0xFFFF  }
0xad: {  	_ =	shalt  }

</sc_bundles>
